<compile_context>
chip_gen: v7x
topology: tpu7x:2x2x1
jax: 0.10.2.dev20260603
libtpu: 0.0.44.dev20260713+nightly
codegen_flags: <defaults>
</compile_context>

<pallas_src>
import functools

import numpy as np
import jax
import jax.numpy as jnp
from jax import lax
from jax.experimental import pallas as pl
from jax.experimental.pallas import tpu as pltpu
from jax.experimental.pallas import tpu_sc as plsc

_DIM = 128
_N = 10000
_E = 320000
_NPAD = 10240
_EPT = _E // 16
_B = 80
_NB = _EPT // _B
_IBB = 125
_AW = 80
_ROWS_PER_TILE = _NPAD // 16

_pp = np.zeros(128, np.int32)
for _c in range(2):
    for _j in range(64):
        _r, _o = _j // 16, _j % 16
        _pp[_c * 64 + _j] = (4 * _c + _o % 4) * 16 + 4 * _r + _o // 4
_PERMQ = _pp


def _interleave32(cols):
    out = np.empty_like(cols)
    for g in range(len(cols) // 32):
        blk = cols[32 * g:32 * g + 32]
        out[32 * g:32 * g + 32:2] = blk[:16]
        out[32 * g + 1:32 * g + 32:2] = blk[16:]
    return out


_PQI0 = _interleave32(_PERMQ[:64])
_PQI1 = _interleave32(_PERMQ[64:])


def _proj_body(x_ref, wq_ref, wkv_ref, bq_ref, bkv_ref, qh_ref, kvh_ref):
    x = x_ref[...]
    qp = jnp.dot(x, wq_ref[...], preferred_element_type=jnp.float32) + bq_ref[...]
    qh_ref[0] = qp[:, :64].astype(jnp.bfloat16)
    qh_ref[1] = qp[:, 64:].astype(jnp.bfloat16)
    kvp = jnp.dot(x, wkv_ref[...], preferred_element_type=jnp.float32) + bkv_ref[...]
    kvh_ref[0] = kvp[:, :128].astype(jnp.bfloat16)
    kvh_ref[1] = kvp[:, 128:].astype(jnp.bfloat16)


def _project(x, wq, wkv, bq2, bkv2):
    return pl.pallas_call(
        _proj_body,
        grid=(5,),
        in_specs=[
            pl.BlockSpec((2000, 128), lambda i: (i, 0)),
            pl.BlockSpec((128, 128), lambda i: (0, 0)),
            pl.BlockSpec((128, 256), lambda i: (0, 0)),
            pl.BlockSpec((1, 128), lambda i: (0, 0)),
            pl.BlockSpec((1, 256), lambda i: (0, 0)),
        ],
        out_specs=[
            pl.BlockSpec((2, 2000, 64), lambda i: (0, i, 0)),
            pl.BlockSpec((2, 2000, 128), lambda i: (0, i, 0)),
        ],
        out_shape=[
            jax.ShapeDtypeStruct((2, _N, 64), jnp.bfloat16),
            jax.ShapeDtypeStruct((2, _N, 128), jnp.bfloat16),
        ],
    )(x, wq, wkv, bq2, bkv2)


def _final_body(acc0_ref, acc1_ref, x_ref, t4_ref, wb0_ref, wb1_ref, wf_ref,
                bf_ref, out_ref):
    a0 = acc0_ref[0]
    a1 = acc1_ref[0]
    t4 = t4_ref[...]
    out0 = a0[:, :64] / (jnp.dot(a0[:, 64:68], t4,
                                 preferred_element_type=jnp.float32) + 1e-16)
    out1 = a1[:, :64] / (jnp.dot(a1[:, 64:68], t4,
                                 preferred_element_type=jnp.float32) + 1e-16)
    out_ref[...] = (
        jnp.dot(out0, wb0_ref[...], preferred_element_type=jnp.float32)
        + jnp.dot(out1, wb1_ref[...], preferred_element_type=jnp.float32)
        + jnp.dot(x_ref[...], wf_ref[...], preferred_element_type=jnp.float32)
        + bf_ref[...]
    )


def _finalize(acc0, acc1, x, t4, wb0, wb1, wf, bf2):
    return pl.pallas_call(
        _final_body,
        grid=(5,),
        in_specs=[
            pl.BlockSpec((1, 2000, _AW), lambda i: (0, i, 0)),
            pl.BlockSpec((1, 2000, _AW), lambda i: (1, i, 0)),
            pl.BlockSpec((2000, 128), lambda i: (i, 0)),
            pl.BlockSpec((4, 64), lambda i: (0, 0)),
            pl.BlockSpec((64, 2), lambda i: (0, 0)),
            pl.BlockSpec((64, 2), lambda i: (0, 0)),
            pl.BlockSpec((128, 2), lambda i: (0, 0)),
            pl.BlockSpec((1, 2), lambda i: (0, 0)),
        ],
        out_specs=pl.BlockSpec((2000, 2), lambda i: (i, 0)),
        out_shape=jax.ShapeDtypeStruct((_N, 2), jnp.float32),
    )(acc0, acc1, x, t4, wb0, wb1, wf, bf2)


def _gather16(x, idx):
    dn = lax.GatherDimensionNumbers(
        offset_dims=(), collapsed_slice_dims=(0,), start_index_map=(0,))
    return lax.gather(x, idx[:, None], dn, slice_sizes=(1,),
                      mode=lax.GatherScatterMode.PROMISE_IN_BOUNDS)


@functools.partial(
    pl.kernel,
    mesh=plsc.VectorSubcoreMesh(core_axis_name="c", subcore_axis_name="s"),
    compiler_params=pltpu.CompilerParams(use_tc_tiling_on_sc=False,
                                         needs_layout_passes=False),
    out_type=jax.ShapeDtypeStruct((2, _NPAD, _AW), jnp.float32),
    scratch_types=[
        pltpu.VMEM((_IBB * _B,), jnp.int32),
        pltpu.VMEM((_IBB * _B,), jnp.int32),
        [pltpu.VMEM((_B,), jnp.int32)] * 2,
        [pltpu.VMEM((_B,), jnp.int32)] * 2,
        [pltpu.VMEM((_B,), jnp.int32)] * 2,
        [pltpu.VMEM((_B, 64), jnp.bfloat16)] * 2,
        [pltpu.VMEM((_B, 128), jnp.bfloat16)] * 2,
        [pltpu.VMEM((_B, _AW), jnp.float32)] * 2,
        pltpu.VMEM_SHARED((_NPAD, _AW), jnp.float32),
        [pltpu.SemaphoreType.DMA] * 2,
        [pltpu.SemaphoreType.DMA] * 2,
        [pltpu.SemaphoreType.DMA] * 2,
    ],
)
def _edge_kernel(qh_hbm, kvh_hbm, dst_hbm, src_hbm, num_hbm,
                 dstbulk, srcbulk, dstb, kvidxb, scatb, qg, kvg, stage, acc,
                 semq, semkv, semsc):
    cid = lax.axis_index("c")
    sid = lax.axis_index("s")

    def zero_stage(i, carry):
        for bb in range(2):
            for col in range(_AW // 16):
                stage[bb][i, pl.ds(col * 16, 16)] = jnp.zeros(
                    (16,), jnp.float32)
        return carry

    lax.fori_loop(0, _B, zero_stage, 0)

    def zero_acc(j, carry):
        pltpu.sync_copy(
            stage[0], acc.at[pl.ds(sid * _ROWS_PER_TILE + j * _B, _B)])
        return carry

    lax.fori_loop(0, _ROWS_PER_TILE // _B, zero_acc, 0)
    plsc.subcore_barrier()

    base = sid * _EPT
    noff = cid * _N

    def load_bulk(blk):
        off = base + blk * (_IBB * _B)
        pltpu.sync_copy(dst_hbm.at[pl.ds(off, _IBB * _B)], dstbulk)
        pltpu.sync_copy(src_hbm.at[pl.ds(off, _IBB * _B)], srcbulk)

    def prep_and_fire(ib, buf):
        boff = lax.rem(ib, _IBB) * _B
        for gg in range(_B // 16):
            o = gg * 16
            dstb[buf][pl.ds(o, 16)] = dstbulk[pl.ds(boff + o, 16)] + noff
            kvidxb[buf][pl.ds(o, 16)] = srcbulk[pl.ds(boff + o, 16)] + noff
        pltpu.async_copy(qh_hbm.at[dstb[buf]], qg[buf], semq[buf])
        pltpu.async_copy(kvh_hbm.at[kvidxb[buf]], kvg[buf], semkv[buf])

    def compute(buf):
        qgb, kvgb, stageb = qg[buf], kvg[buf], stage[buf]

        @plsc.parallel_loop(0, _B, unroll=4)
        def per_edge(e):
            iota = lax.iota(jnp.int32, 16)
            fmt = plsc.PackFormat.INTERLEAVED
            q0, q1 = plsc.unpack(qgb[e, pl.ds(0, 32)], format=fmt)
            q2, q3 = plsc.unpack(qgb[e, pl.ds(32, 32)], format=fmt)
            k0, k1 = plsc.unpack(kvgb[e, pl.ds(0, 32)], format=fmt)
            k2, k3 = plsc.unpack(kvgb[e, pl.ds(32, 32)], format=fmt)
            s = q0 * k0 + q1 * k1 + q2 * k2 + q3 * k3
            t = s + _gather16(s, 8 + (iota & 7))
            u = t + _gather16(t, 4 + (iota & 3))
            w4 = jnp.exp(u * 0.25)
            wdup = _gather16(w4, iota & 3)
            v0, v1 = plsc.unpack(kvgb[e, pl.ds(64, 32)], format=fmt)
            v2, v3 = plsc.unpack(kvgb[e, pl.ds(96, 32)], format=fmt)
            for r, vv in enumerate((v0, v1, v2, v3)):
                stageb[e, pl.ds(16 * r, 16)] = vv * wdup
            stageb[e, pl.ds(64, 16)] = w4

    def fire_scatter(buf):
        for gg in range(_B // 16):
            o = gg * 16
            scatb[buf][pl.ds(o, 16)] = dstb[buf][pl.ds(o, 16)] - noff
        pltpu.async_copy(stage[buf], acc.at[scatb[buf]], semsc[buf],
                         add=True)

    def wait_scatter(buf):
        pltpu.make_async_copy(stage[buf], acc.at[scatb[buf]],
                              semsc[buf]).wait()

    def wait_gathers(buf):
        pltpu.make_async_copy(qh_hbm.at[dstb[buf]], qg[buf], semq[buf]).wait()
        pltpu.make_async_copy(kvh_hbm.at[kvidxb[buf]], kvg[buf],
                              semkv[buf]).wait()

    load_bulk(0)
    prep_and_fire(0, 0)

    def per_pair(it, carry):
        for b in range(2):
            ib = it * 2 + b
            buf = b
            obuf = 1 - b

            @pl.when(jnp.logical_and(ib + 1 < _NB,
                                     lax.rem(ib + 1, _IBB) == 0))
            def _():
                load_bulk((ib + 1) // _IBB)

            @pl.when(ib + 1 < _NB)
            def _():
                prep_and_fire(ib + 1, obuf)

            wait_gathers(buf)

            @pl.when(ib >= 2)
            def _():
                wait_scatter(buf)

            compute(buf)
            fire_scatter(buf)
        return carry

    lax.fori_loop(0, _NB // 2, per_pair, 0)
    wait_scatter(0)
    wait_scatter(1)
    plsc.subcore_barrier()
    pltpu.sync_copy(
        acc.at[pl.ds(sid * _ROWS_PER_TILE, _ROWS_PER_TILE)],
        num_hbm.at[cid, pl.ds(sid * _ROWS_PER_TILE, _ROWS_PER_TILE)])


def kernel(nodes, edge_index, Wq, bq, Wk, bk, Wv, bv, Wskip, bskip, Wb, bb):
    nodes = nodes.astype(jnp.float32)
    src = edge_index[0].astype(jnp.int32)
    dst = edge_index[1].astype(jnp.int32)
    permq = jnp.asarray(_PERMQ)
    p0, p1 = permq[:64], permq[64:]
    pi0, pi1 = jnp.asarray(_PQI0), jnp.asarray(_PQI1)

    wq_p = jnp.concatenate([Wq[:, pi0], Wq[:, pi1]], axis=1)
    wkv_p = jnp.concatenate(
        [Wk[:, pi0], Wv[:, pi0], Wk[:, pi1], Wv[:, pi1]], axis=1)
    bq_p = jnp.concatenate([bq[pi0], bq[pi1]])[None, :]
    bkv_p = jnp.concatenate([bk[pi0], bv[pi0], bk[pi1], bv[pi1]])[None, :]
    qh, kvh = _project(nodes, wq_p, wkv_p, bq_p, bkv_p)

    num = _edge_kernel(qh.reshape(2 * _N, 64), kvh.reshape(2 * _N, 128),
                       dst, src)

    t4 = (jnp.arange(64)[None, :] % 4 == jnp.arange(4)[:, None]).astype(
        jnp.float32)
    wb0 = Wb[p0, :]
    wb1 = Wb[p1, :]
    wf = Wskip @ Wb
    bf = (bskip @ Wb + bb)[None, :]
    logits = _finalize(num, num, nodes, t4, wb0, wb1, wf, bf)
    return (logits[:, 0], logits[:, 1])

# --- scband reference (transcript-rebuilt; emitter-appended) ---
"""Pipeline reference for scband-boundary-graph-predictor-2104533975798 (READ-ONLY COPY).

The authoritative reference and input builder live on the scoring server;
editing this copy changes nothing except your own understanding.
"""

import jax, jax.numpy as jnp
import numpy as np

DIM = 128
HEADS = 8
HEAD_DIM = DIM // HEADS
N_NODES = 10000
N_EDGES = 320000


def setup_inputs(seed: int = 0) -> dict:
    key = jax.random.key(seed)
    ks = jax.random.split(key, 12)
    scale = 1.0 / np.sqrt(DIM)
    nodes = jax.random.normal(ks[0], (N_NODES, DIM), dtype=jnp.float32)
    edge_index = jax.random.randint(ks[1], (2, N_EDGES), 0, N_NODES, dtype=jnp.int64)
    Wq = jax.random.normal(ks[2], (DIM, DIM), dtype=jnp.float32) * scale
    bq = jnp.zeros((DIM,), dtype=jnp.float32)
    Wk = jax.random.normal(ks[3], (DIM, DIM), dtype=jnp.float32) * scale
    bk = jnp.zeros((DIM,), dtype=jnp.float32)
    Wv = jax.random.normal(ks[4], (DIM, DIM), dtype=jnp.float32) * scale
    bv = jnp.zeros((DIM,), dtype=jnp.float32)
    Wskip = jax.random.normal(ks[5], (DIM, DIM), dtype=jnp.float32) * scale
    bskip = jnp.zeros((DIM,), dtype=jnp.float32)
    Wb = jax.random.normal(ks[6], (DIM, 2), dtype=jnp.float32) * scale
    bb = jnp.zeros((2,), dtype=jnp.float32)
    return {"nodes": nodes, "edge_index": edge_index, "Wq": Wq, "bq": bq,
            "Wk": Wk, "bk": bk, "Wv": Wv, "bv": bv,
            "Wskip": Wskip, "bskip": bskip, "Wb": Wb, "bb": bb}


def reference(nodes, edge_index, Wq, bq, Wk, bk, Wv, bv, Wskip, bskip, Wb, bb):
    N = nodes.shape[0]
    src = edge_index[0]
    dst = edge_index[1]
    q = (nodes @ Wq + bq).reshape(N, HEADS, HEAD_DIM)
    k = (nodes @ Wk + bk).reshape(N, HEADS, HEAD_DIM)
    v = (nodes @ Wv + bv).reshape(N, HEADS, HEAD_DIM)
    # gather per-edge: message from src j to dst i (source_to_target)
    q_i = jnp.take(q, dst, axis=0)  # [E, H, C]
    k_j = jnp.take(k, src, axis=0)
    v_j = jnp.take(v, src, axis=0)
    alpha = jnp.sum(q_i * k_j, axis=-1) / jnp.sqrt(float(HEAD_DIM))  # [E, H]
    # segment softmax over edges grouped by destination node
    amax = jax.ops.segment_max(alpha, dst, num_segments=N)  # [N, H]
    amax = jnp.where(jnp.isfinite(amax), amax, 0.0)
    amax = jax.lax.stop_gradient(amax)
    ex = jnp.exp(alpha - jnp.take(amax, dst, axis=0))
    denom = jax.ops.segment_sum(ex, dst, num_segments=N)  # [N, H]
    attn = ex / (jnp.take(denom, dst, axis=0) + 1e-16)  # [E, H]
    msg = v_j * attn[..., None]  # [E, H, C]
    agg = jax.ops.segment_sum(msg, dst, num_segments=N)  # [N, H, C]
    out = agg.reshape(N, HEADS * HEAD_DIM)
    # root weight / skip connection (PyG TransformerConv root_weight=True)
    out = out + nodes @ Wskip + bskip
    logits = out @ Wb + bb  # [N, 2]
    return (logits[..., 0], logits[..., 1])

if __name__ == "__main__":
    import jax
    _d = setup_inputs()
    print(jax.jit(kernel)(*tuple(_d.values())))

</pallas_src>

<mosaic_0001>
#map = affine_map<(d0, d1) -> (0, 0)>
#map1 = affine_map<(d0, d1) -> (0)>
#map2 = affine_map<(d0, d1) -> (0, 0, 0)>
module attributes {stable_mosaic.version = 14 : i64} {
  func.func @_edge_kernel(%arg0: i32, %arg1: i32, %arg2: memref<20000x64xbf16, #tpu.memory_space<hbm>>, %arg3: memref<20000x128xbf16, #tpu.memory_space<hbm>>, %arg4: memref<320000xi32, #tpu.memory_space<hbm>>, %arg5: memref<320000xi32, #tpu.memory_space<hbm>>, %arg6: memref<2x10240x80xf32, #tpu.memory_space<hbm>>, %arg7: memref<10000xi32, #tpu.memory_space<vmem>>, %arg8: memref<10000xi32, #tpu.memory_space<vmem>>, %arg9: memref<80xi32, #tpu.memory_space<vmem>>, %arg10: memref<80xi32, #tpu.memory_space<vmem>>, %arg11: memref<80xi32, #tpu.memory_space<vmem>>, %arg12: memref<80xi32, #tpu.memory_space<vmem>>, %arg13: memref<80xi32, #tpu.memory_space<vmem>>, %arg14: memref<80xi32, #tpu.memory_space<vmem>>, %arg15: memref<80x64xbf16, #tpu.memory_space<vmem>>, %arg16: memref<80x64xbf16, #tpu.memory_space<vmem>>, %arg17: memref<80x128xbf16, #tpu.memory_space<vmem>>, %arg18: memref<80x128xbf16, #tpu.memory_space<vmem>>, %arg19: memref<80x80xf32, #tpu.memory_space<vmem>>, %arg20: memref<80x80xf32, #tpu.memory_space<vmem>>, %arg21: memref<10240x80xf32, #tpu.memory_space<vmem_shared>>, %arg22: memref<!tpu.dma_semaphore, #tpu.memory_space<semaphore_mem>>, %arg23: memref<!tpu.dma_semaphore, #tpu.memory_space<semaphore_mem>>, %arg24: memref<!tpu.dma_semaphore, #tpu.memory_space<semaphore_mem>>, %arg25: memref<!tpu.dma_semaphore, #tpu.memory_space<semaphore_mem>>, %arg26: memref<!tpu.dma_semaphore, #tpu.memory_space<semaphore_mem>>, %arg27: memref<!tpu.dma_semaphore, #tpu.memory_space<semaphore_mem>>) attributes {dimension_semantics = [#tpu.dimension_semantics<core_parallel>, #tpu.dimension_semantics<subcore_parallel>], iteration_bounds = array<i64: 2, 16>, scalar_prefetch = 0 : i64, scratch_operands = 21 : i64, tpu.core_type = #tpu.core_type<sc_vector_subcore>, window_params = [{transform_indices = #map}, {transform_indices = #map}, {transform_indices = #map1}, {transform_indices = #map1}, {transform_indices = #map2}]} {
    %scan3A = arith.constant 0 : i32
    %scan3A_0 = arith.constant 0 : i32
    %scan3A_1 = arith.constant 80 : i32
    %scan3A_2 = arith.addi %scan3A_0, %scan3A_1 : i32
    %scan3A_3 = arith.constant 1 : i32
    scf.for %scan3A_118 = %scan3A_0 to %scan3A_2 step %scan3A_3  : i32 {
      %broadcast_in_dim3A = arith.constant 0.000000e+00 : f32
      %broadcast_in_dim3A_119 = vector.broadcast %broadcast_in_dim3A : f32 to vector<16xf32>
      %swap3A_120 = arith.index_cast %scan3A_118 : i32 to index
      %swap3A_121 = arith.constant 0 : index
      %swap3A_122 = tpu.vector_load %arg19[%swap3A_120, %swap3A_121] {strides = array<i32>} : memref<80x80xf32, #tpu.memory_space<vmem>>, vector<16xf32>,
      tpu.vector_store %arg19[%swap3A_120, %swap3A_121], %broadcast_in_dim3A_119 {strides = array<i32>} : memref<80x80xf32, #tpu.memory_space<vmem>>, vector<16xf32>,
      %broadcast_in_dim3A_123 = arith.constant 0.000000e+00 : f32
      %broadcast_in_dim3A_124 = vector.broadcast %broadcast_in_dim3A_123 : f32 to vector<16xf32>
      %swap3A_125 = arith.index_cast %scan3A_118 : i32 to index
      %swap3A_126 = arith.constant 16 : index
      %swap3A_127 = tpu.vector_load %arg19[%swap3A_125, %swap3A_126] {strides = array<i32>} : memref<80x80xf32, #tpu.memory_space<vmem>>, vector<16xf32>,
      tpu.vector_store %arg19[%swap3A_125, %swap3A_126], %broadcast_in_dim3A_124 {strides = array<i32>} : memref<80x80xf32, #tpu.memory_space<vmem>>, vector<16xf32>,
      %broadcast_in_dim3A_128 = arith.constant 0.000000e+00 : f32
      %broadcast_in_dim3A_129 = vector.broadcast %broadcast_in_dim3A_128 : f32 to vector<16xf32>
      %swap3A_130 = arith.index_cast %scan3A_118 : i32 to index
      %swap3A_131 = arith.constant 32 : index
      %swap3A_132 = tpu.vector_load %arg19[%swap3A_130, %swap3A_131] {strides = array<i32>} : memref<80x80xf32, #tpu.memory_space<vmem>>, vector<16xf32>,
      tpu.vector_store %arg19[%swap3A_130, %swap3A_131], %broadcast_in_dim3A_129 {strides = array<i32>} : memref<80x80xf32, #tpu.memory_space<vmem>>, vector<16xf32>,
      %broadcast_in_dim3A_133 = arith.constant 0.000000e+00 : f32
      %broadcast_in_dim3A_134 = vector.broadcast %broadcast_in_dim3A_133 : f32 to vector<16xf32>
      %swap3A_135 = arith.index_cast %scan3A_118 : i32 to index
      %swap3A_136 = arith.constant 48 : index
      %swap3A_137 = tpu.vector_load %arg19[%swap3A_135, %swap3A_136] {strides = array<i32>} : memref<80x80xf32, #tpu.memory_space<vmem>>, vector<16xf32>,
      tpu.vector_store %arg19[%swap3A_135, %swap3A_136], %broadcast_in_dim3A_134 {strides = array<i32>} : memref<80x80xf32, #tpu.memory_space<vmem>>, vector<16xf32>,
      %broadcast_in_dim3A_138 = arith.constant 0.000000e+00 : f32
      %broadcast_in_dim3A_139 = vector.broadcast %broadcast_in_dim3A_138 : f32 to vector<16xf32>
      %swap3A_140 = arith.index_cast %scan3A_118 : i32 to index
      %swap3A_141 = arith.constant 64 : index
      %swap3A_142 = tpu.vector_load %arg19[%swap3A_140, %swap3A_141] {strides = array<i32>} : memref<80x80xf32, #tpu.memory_space<vmem>>, vector<16xf32>,
      tpu.vector_store %arg19[%swap3A_140, %swap3A_141], %broadcast_in_dim3A_139 {strides = array<i32>} : memref<80x80xf32, #tpu.memory_space<vmem>>, vector<16xf32>,
      %broadcast_in_dim3A_143 = arith.constant 0.000000e+00 : f32
      %broadcast_in_dim3A_144 = vector.broadcast %broadcast_in_dim3A_143 : f32 to vector<16xf32>
      %swap3A_145 = arith.index_cast %scan3A_118 : i32 to index
      %swap3A_146 = arith.constant 0 : index
      %swap3A_147 = tpu.vector_load %arg20[%swap3A_145, %swap3A_146] {strides = array<i32>} : memref<80x80xf32, #tpu.memory_space<vmem>>, vector<16xf32>,
      tpu.vector_store %arg20[%swap3A_145, %swap3A_146], %broadcast_in_dim3A_144 {strides = array<i32>} : memref<80x80xf32, #tpu.memory_space<vmem>>, vector<16xf32>,
      %broadcast_in_dim3A_148 = arith.constant 0.000000e+00 : f32
      %broadcast_in_dim3A_149 = vector.broadcast %broadcast_in_dim3A_148 : f32 to vector<16xf32>
      %swap3A_150 = arith.index_cast %scan3A_118 : i32 to index
      %swap3A_151 = arith.constant 16 : index
      %swap3A_152 = tpu.vector_load %arg20[%swap3A_150, %swap3A_151] {strides = array<i32>} : memref<80x80xf32, #tpu.memory_space<vmem>>, vector<16xf32>,
      tpu.vector_store %arg20[%swap3A_150, %swap3A_151], %broadcast_in_dim3A_149 {strides = array<i32>} : memref<80x80xf32, #tpu.memory_space<vmem>>, vector<16xf32>,
      %broadcast_in_dim3A_153 = arith.constant 0.000000e+00 : f32
      %broadcast_in_dim3A_154 = vector.broadcast %broadcast_in_dim3A_153 : f32 to vector<16xf32>
      %swap3A_155 = arith.index_cast %scan3A_118 : i32 to index
      %swap3A_156 = arith.constant 32 : index
      %swap3A_157 = tpu.vector_load %arg20[%swap3A_155, %swap3A_156] {strides = array<i32>} : memref<80x80xf32, #tpu.memory_space<vmem>>, vector<16xf32>,
      tpu.vector_store %arg20[%swap3A_155, %swap3A_156], %broadcast_in_dim3A_154 {strides = array<i32>} : memref<80x80xf32, #tpu.memory_space<vmem>>, vector<16xf32>,
      %broadcast_in_dim3A_158 = arith.constant 0.000000e+00 : f32
      %broadcast_in_dim3A_159 = vector.broadcast %broadcast_in_dim3A_158 : f32 to vector<16xf32>
      %swap3A_160 = arith.index_cast %scan3A_118 : i32 to index
      %swap3A_161 = arith.constant 48 : index
      %swap3A_162 = tpu.vector_load %arg20[%swap3A_160, %swap3A_161] {strides = array<i32>} : memref<80x80xf32, #tpu.memory_space<vmem>>, vector<16xf32>,
      tpu.vector_store %arg20[%swap3A_160, %swap3A_161], %broadcast_in_dim3A_159 {strides = array<i32>} : memref<80x80xf32, #tpu.memory_space<vmem>>, vector<16xf32>,
      %broadcast_in_dim3A_163 = arith.constant 0.000000e+00 : f32
      %broadcast_in_dim3A_164 = vector.broadcast %broadcast_in_dim3A_163 : f32 to vector<16xf32>
      %swap3A_165 = arith.index_cast %scan3A_118 : i32 to index
      %swap3A_166 = arith.constant 64 : index
      %swap3A_167 = tpu.vector_load %arg20[%swap3A_165, %swap3A_166] {strides = array<i32>} : memref<80x80xf32, #tpu.memory_space<vmem>>, vector<16xf32>,
      tpu.vector_store %arg20[%swap3A_165, %swap3A_166], %broadcast_in_dim3A_164 {strides = array<i32>} : memref<80x80xf32, #tpu.memory_space<vmem>>, vector<16xf32>,
    }
    %scan3A_4 = arith.constant 80 : i32
    %scan3A_5 = arith.constant 0 : i32
    %scan3A_6 = arith.constant 0 : i32
    %scan3A_7 = arith.constant 8 : i32
    %scan3A_8 = arith.addi %scan3A_6, %scan3A_7 : i32
    %scan3A_9 = arith.constant 1 : i32
    scf.for %scan3A_118 = %scan3A_6 to %scan3A_8 step %scan3A_9  : i32 {
      %mul3A_119 = arith.constant 640 : i32
      %mul3A_120 = arith.muli %arg1, %mul3A_119 : i32
      %mul3A_121 = arith.constant 80 : i32
      %mul3A_122 = arith.muli %scan3A_118, %mul3A_121 : i32
      %add3A_123 = arith.addi %mul3A_120, %mul3A_122 : i32
      "tpu.region"() ({
        %run_scoped3A = tpu.sem_alloc : memref<!tpu.dma_semaphore, #tpu.memory_space<semaphore_mem>>
        %dma_start3A_124 = arith.constant 0 : i32
        %dma_start3A_125 = tpu.memref_slice %arg21[%add3A_123, %dma_start3A_124] : memref<10240x80xf32, #tpu.memory_space<vmem_shared>> -> memref<80x80xf32, #tpu.memory_space<vmem_shared>>
        %dma_start3A_126 = arith.constant 0 : i32
        %dma_start3A_127 = tpu.memref_slice %arg21[%add3A_123, %dma_start3A_126] : memref<10240x80xf32, #tpu.memory_space<vmem_shared>> -> memref<80x80xf32, #tpu.memory_space<vmem_shared>>
        tpu.enqueue_dma source(%arg19 : memref<80x80xf32, #tpu.memory_space<vmem>>) target(%dma_start3A_127 : memref<80x80xf32, #tpu.memory_space<vmem_shared>>) target_semaphore(%run_scoped3A : memref<!tpu.dma_semaphore, #tpu.memory_space<semaphore_mem>>)
        %dma_wait3A_128 = arith.constant 0 : i32
        %dma_wait3A_129 = tpu.memref_slice %arg21[%add3A_123, %dma_wait3A_128] : memref<10240x80xf32, #tpu.memory_space<vmem_shared>> -> memref<80x80xf32, #tpu.memory_space<vmem_shared>>
        %dma_wait3A_130 = arith.constant 0 : i32
        %dma_wait3A_131 = tpu.memref_slice %arg21[%add3A_123, %dma_wait3A_130] : memref<10240x80xf32, #tpu.memory_space<vmem_shared>> -> memref<80x80xf32, #tpu.memory_space<vmem_shared>>
        tpu.wait_dma2 semaphore(%run_scoped3A : memref<!tpu.dma_semaphore, #tpu.memory_space<semaphore_mem>>) src(%arg19 : memref<80x80xf32, #tpu.memory_space<vmem>>) dst(%dma_wait3A_131 : memref<80x80xf32, #tpu.memory_space<vmem_shared>>)
        tpu.yield
      }) : () -> ()
    }
    %scan3A_10 = arith.constant 8 : i32
    %barrier3A = arith.constant 0 : index
    tpu.barrier barrier_id(%barrier3A)
    %mul3A = arith.constant 20000 : i32
    %mul3A_11 = arith.muli %arg1, %mul3A : i32
    %mul3A_12 = arith.constant 10000 : i32
    %mul3A_13 = arith.muli %arg0, %mul3A_12 : i32
    %add3A = arith.constant 0 : i32
    %add3A_14 = arith.addi %mul3A_11, %add3A : i32
    "tpu.region"() ({
      %run_scoped3A = tpu.sem_alloc : memref<!tpu.dma_semaphore, #tpu.memory_space<semaphore_mem>>
      %dma_start3A_118 = tpu.memref_slice %arg4[%add3A_14] : memref<320000xi32, #tpu.memory_space<hbm>> -> memref<10000xi32, #tpu.memory_space<hbm>>
      %dma_start3A_119 = tpu.memref_slice %arg4[%add3A_14] : memref<320000xi32, #tpu.memory_space<hbm>> -> memref<10000xi32, #tpu.memory_space<hbm>>
      tpu.enqueue_dma source(%dma_start3A_119 : memref<10000xi32, #tpu.memory_space<hbm>>) target(%arg7 : memref<10000xi32, #tpu.memory_space<vmem>>) target_semaphore(%run_scoped3A : memref<!tpu.dma_semaphore, #tpu.memory_space<semaphore_mem>>)
      %dma_wait3A_120 = tpu.memref_slice %arg4[%add3A_14] : memref<320000xi32, #tpu.memory_space<hbm>> -> memref<10000xi32, #tpu.memory_space<hbm>>
      %dma_wait3A_121 = tpu.memref_slice %arg4[%add3A_14] : memref<320000xi32, #tpu.memory_space<hbm>> -> memref<10000xi32, #tpu.memory_space<hbm>>
      tpu.wait_dma2 semaphore(%run_scoped3A : memref<!tpu.dma_semaphore, #tpu.memory_space<semaphore_mem>>) src(%dma_wait3A_121 : memref<10000xi32, #tpu.memory_space<hbm>>) dst(%arg7 : memref<10000xi32, #tpu.memory_space<vmem>>)
      tpu.yield
    }) : () -> ()
    "tpu.region"() ({
      %run_scoped3A = tpu.sem_alloc : memref<!tpu.dma_semaphore, #tpu.memory_space<semaphore_mem>>
      %dma_start3A_118 = tpu.memref_slice %arg5[%add3A_14] : memref<320000xi32, #tpu.memory_space<hbm>> -> memref<10000xi32, #tpu.memory_space<hbm>>
      %dma_start3A_119 = tpu.memref_slice %arg5[%add3A_14] : memref<320000xi32, #tpu.memory_space<hbm>> -> memref<10000xi32, #tpu.memory_space<hbm>>
      tpu.enqueue_dma source(%dma_start3A_119 : memref<10000xi32, #tpu.memory_space<hbm>>) target(%arg8 : memref<10000xi32, #tpu.memory_space<vmem>>) target_semaphore(%run_scoped3A : memref<!tpu.dma_semaphore, #tpu.memory_space<semaphore_mem>>)
      %dma_wait3A_120 = tpu.memref_slice %arg5[%add3A_14] : memref<320000xi32, #tpu.memory_space<hbm>> -> memref<10000xi32, #tpu.memory_space<hbm>>
      %dma_wait3A_121 = tpu.memref_slice %arg5[%add3A_14] : memref<320000xi32, #tpu.memory_space<hbm>> -> memref<10000xi32, #tpu.memory_space<hbm>>
      tpu.wait_dma2 semaphore(%run_scoped3A : memref<!tpu.dma_semaphore, #tpu.memory_space<semaphore_mem>>) src(%dma_wait3A_121 : memref<10000xi32, #tpu.memory_space<hbm>>) dst(%arg8 : memref<10000xi32, #tpu.memory_space<vmem>>)
      tpu.yield
    }) : () -> ()
    %rem3A = arith.constant 0 : i32
    %rem3A_15 = arith.constant 125 : i32
    %rem3A_16 = arith.remsi %rem3A, %rem3A_15 : i32
    %mul3A_17 = arith.constant 80 : i32
    %mul3A_18 = arith.muli %rem3A_16, %mul3A_17 : i32
    %add3A_19 = arith.constant 0 : i32
    %add3A_20 = arith.addi %mul3A_18, %add3A_19 : i32
    %get3A = arith.index_cast %add3A_20 : i32 to index
    %get3A_21 = tpu.vector_load %arg7[%get3A] {strides = array<i32>} : memref<10000xi32, #tpu.memory_space<vmem>>, vector<16xi32>,
    %add3A_22 = vector.broadcast %mul3A_13 : i32 to vector<16xi32>
    %add3A_23 = arith.addi %get3A_21, %add3A_22 : vector<16xi32>
    %swap3A = arith.constant 0 : index
    %swap3A_24 = tpu.vector_load %arg9[%swap3A] {strides = array<i32>} : memref<80xi32, #tpu.memory_space<vmem>>, vector<16xi32>,
    tpu.vector_store %arg9[%swap3A], %add3A_23 {strides = array<i32>} : memref<80xi32, #tpu.memory_space<vmem>>, vector<16xi32>,
    %add3A_25 = arith.constant 0 : i32
    %add3A_26 = arith.addi %mul3A_18, %add3A_25 : i32
    %get3A_27 = arith.index_cast %add3A_26 : i32 to index
    %get3A_28 = tpu.vector_load %arg8[%get3A_27] {strides = array<i32>} : memref<10000xi32, #tpu.memory_space<vmem>>, vector<16xi32>,
    %add3A_29 = vector.broadcast %mul3A_13 : i32 to vector<16xi32>
    %add3A_30 = arith.addi %get3A_28, %add3A_29 : vector<16xi32>
    %swap3A_31 = arith.constant 0 : index
    %swap3A_32 = tpu.vector_load %arg11[%swap3A_31] {strides = array<i32>} : memref<80xi32, #tpu.memory_space<vmem>>, vector<16xi32>,
    tpu.vector_store %arg11[%swap3A_31], %add3A_30 {strides = array<i32>} : memref<80xi32, #tpu.memory_space<vmem>>, vector<16xi32>,
    %add3A_33 = arith.constant 16 : i32
    %add3A_34 = arith.addi %mul3A_18, %add3A_33 : i32
    %get3A_35 = arith.index_cast %add3A_34 : i32 to index
    %get3A_36 = tpu.vector_load %arg7[%get3A_35] {strides = array<i32>} : memref<10000xi32, #tpu.memory_space<vmem>>, vector<16xi32>,
    %add3A_37 = vector.broadcast %mul3A_13 : i32 to vector<16xi32>
    %add3A_38 = arith.addi %get3A_36, %add3A_37 : vector<16xi32>
    %swap3A_39 = arith.constant 16 : index
    %swap3A_40 = tpu.vector_load %arg9[%swap3A_39] {strides = array<i32>} : memref<80xi32, #tpu.memory_space<vmem>>, vector<16xi32>,
    tpu.vector_store %arg9[%swap3A_39], %add3A_38 {strides = array<i32>} : memref<80xi32, #tpu.memory_space<vmem>>, vector<16xi32>,
    %add3A_41 = arith.constant 16 : i32
    %add3A_42 = arith.addi %mul3A_18, %add3A_41 : i32
    %get3A_43 = arith.index_cast %add3A_42 : i32 to index
    %get3A_44 = tpu.vector_load %arg8[%get3A_43] {strides = array<i32>} : memref<10000xi32, #tpu.memory_space<vmem>>, vector<16xi32>,
    %add3A_45 = vector.broadcast %mul3A_13 : i32 to vector<16xi32>
    %add3A_46 = arith.addi %get3A_44, %add3A_45 : vector<16xi32>
    %swap3A_47 = arith.constant 16 : index
    %swap3A_48 = tpu.vector_load %arg11[%swap3A_47] {strides = array<i32>} : memref<80xi32, #tpu.memory_space<vmem>>, vector<16xi32>,
    tpu.vector_store %arg11[%swap3A_47], %add3A_46 {strides = array<i32>} : memref<80xi32, #tpu.memory_space<vmem>>, vector<16xi32>,
    %add3A_49 = arith.constant 32 : i32
    %add3A_50 = arith.addi %mul3A_18, %add3A_49 : i32
    %get3A_51 = arith.index_cast %add3A_50 : i32 to index
    %get3A_52 = tpu.vector_load %arg7[%get3A_51] {strides = array<i32>} : memref<10000xi32, #tpu.memory_space<vmem>>, vector<16xi32>,
    %add3A_53 = vector.broadcast %mul3A_13 : i32 to vector<16xi32>
    %add3A_54 = arith.addi %get3A_52, %add3A_53 : vector<16xi32>
    %swap3A_55 = arith.constant 32 : index
    %swap3A_56 = tpu.vector_load %arg9[%swap3A_55] {strides = array<i32>} : memref<80xi32, #tpu.memory_space<vmem>>, vector<16xi32>,
    tpu.vector_store %arg9[%swap3A_55], %add3A_54 {strides = array<i32>} : memref<80xi32, #tpu.memory_space<vmem>>, vector<16xi32>,
    %add3A_57 = arith.constant 32 : i32
    %add3A_58 = arith.addi %mul3A_18, %add3A_57 : i32
    %get3A_59 = arith.index_cast %add3A_58 : i32 to index
    %get3A_60 = tpu.vector_load %arg8[%get3A_59] {strides = array<i32>} : memref<10000xi32, #tpu.memory_space<vmem>>, vector<16xi32>,
    %add3A_61 = vector.broadcast %mul3A_13 : i32 to vector<16xi32>
    %add3A_62 = arith.addi %get3A_60, %add3A_61 : vector<16xi32>
    %swap3A_63 = arith.constant 32 : index
    %swap3A_64 = tpu.vector_load %arg11[%swap3A_63] {strides = array<i32>} : memref<80xi32, #tpu.memory_space<vmem>>, vector<16xi32>,
    tpu.vector_store %arg11[%swap3A_63], %add3A_62 {strides = array<i32>} : memref<80xi32, #tpu.memory_space<vmem>>, vector<16xi32>,
    %add3A_65 = arith.constant 48 : i32
    %add3A_66 = arith.addi %mul3A_18, %add3A_65 : i32
    %get3A_67 = arith.index_cast %add3A_66 : i32 to index
    %get3A_68 = tpu.vector_load %arg7[%get3A_67] {strides = array<i32>} : memref<10000xi32, #tpu.memory_space<vmem>>, vector<16xi32>,
    %add3A_69 = vector.broadcast %mul3A_13 : i32 to vector<16xi32>
    %add3A_70 = arith.addi %get3A_68, %add3A_69 : vector<16xi32>
    %swap3A_71 = arith.constant 48 : index
    %swap3A_72 = tpu.vector_load %arg9[%swap3A_71] {strides = array<i32>} : memref<80xi32, #tpu.memory_space<vmem>>, vector<16xi32>,
    tpu.vector_store %arg9[%swap3A_71], %add3A_70 {strides = array<i32>} : memref<80xi32, #tpu.memory_space<vmem>>, vector<16xi32>,
    %add3A_73 = arith.constant 48 : i32
    %add3A_74 = arith.addi %mul3A_18, %add3A_73 : i32
    %get3A_75 = arith.index_cast %add3A_74 : i32 to index
    %get3A_76 = tpu.vector_load %arg8[%get3A_75] {strides = array<i32>} : memref<10000xi32, #tpu.memory_space<vmem>>, vector<16xi32>,
    %add3A_77 = vector.broadcast %mul3A_13 : i32 to vector<16xi32>
    %add3A_78 = arith.addi %get3A_76, %add3A_77 : vector<16xi32>
    %swap3A_79 = arith.constant 48 : index
    %swap3A_80 = tpu.vector_load %arg11[%swap3A_79] {strides = array<i32>} : memref<80xi32, #tpu.memory_space<vmem>>, vector<16xi32>,
    tpu.vector_store %arg11[%swap3A_79], %add3A_78 {strides = array<i32>} : memref<80xi32, #tpu.memory_space<vmem>>, vector<16xi32>,
    %add3A_81 = arith.constant 64 : i32
    %add3A_82 = arith.addi %mul3A_18, %add3A_81 : i32
    %get3A_83 = arith.index_cast %add3A_82 : i32 to index
    %get3A_84 = tpu.vector_load %arg7[%get3A_83] {strides = array<i32>} : memref<10000xi32, #tpu.memory_space<vmem>>, vector<16xi32>,
    %add3A_85 = vector.broadcast %mul3A_13 : i32 to vector<16xi32>
    %add3A_86 = arith.addi %get3A_84, %add3A_85 : vector<16xi32>
    %swap3A_87 = arith.constant 64 : index
    %swap3A_88 = tpu.vector_load %arg9[%swap3A_87] {strides = array<i32>} : memref<80xi32, #tpu.memory_space<vmem>>, vector<16xi32>,
    tpu.vector_store %arg9[%swap3A_87], %add3A_86 {strides = array<i32>} : memref<80xi32, #tpu.memory_space<vmem>>, vector<16xi32>,
    %add3A_89 = arith.constant 64 : i32
    %add3A_90 = arith.addi %mul3A_18, %add3A_89 : i32
    %get3A_91 = arith.index_cast %add3A_90 : i32 to index
    %get3A_92 = tpu.vector_load %arg8[%get3A_91] {strides = array<i32>} : memref<10000xi32, #tpu.memory_space<vmem>>, vector<16xi32>,
    %add3A_93 = vector.broadcast %mul3A_13 : i32 to vector<16xi32>
    %add3A_94 = arith.addi %get3A_92, %add3A_93 : vector<16xi32>
    %swap3A_95 = arith.constant 64 : index
    %swap3A_96 = tpu.vector_load %arg11[%swap3A_95] {strides = array<i32>} : memref<80xi32, #tpu.memory_space<vmem>>, vector<16xi32>,
    tpu.vector_store %arg11[%swap3A_95], %add3A_94 {strides = array<i32>} : memref<80xi32, #tpu.memory_space<vmem>>, vector<16xi32>,
    %dma_start3A = arith.constant 0 : i32
    %dma_start3A_97 = arith.constant 0 : i32
    %dma_start3A_98 = tpu.memref_slice %arg2[%dma_start3A, %dma_start3A_97] : memref<20000x64xbf16, #tpu.memory_space<hbm>> -> memref<20000x64xbf16, #tpu.memory_space<hbm>>
    tpu.enqueue_indirect_dma source(%dma_start3A_98 : memref<20000x64xbf16, #tpu.memory_space<hbm>>) target(%arg15 : memref<80x64xbf16, #tpu.memory_space<vmem>>) offsets(%arg9 : memref<80xi32, #tpu.memory_space<vmem>>) semaphore(%arg22 : memref<!tpu.dma_semaphore, #tpu.memory_space<semaphore_mem>>)
    %dma_start3A_99 = arith.constant 0 : i32
    %dma_start3A_100 = arith.constant 0 : i32
    %dma_start3A_101 = tpu.memref_slice %arg3[%dma_start3A_99, %dma_start3A_100] : memref<20000x128xbf16, #tpu.memory_space<hbm>> -> memref<20000x128xbf16, #tpu.memory_space<hbm>>
    tpu.enqueue_indirect_dma source(%dma_start3A_101 : memref<20000x128xbf16, #tpu.memory_space<hbm>>) target(%arg17 : memref<80x128xbf16, #tpu.memory_space<vmem>>) offsets(%arg11 : memref<80xi32, #tpu.memory_space<vmem>>) semaphore(%arg24 : memref<!tpu.dma_semaphore, #tpu.memory_space<semaphore_mem>>)
    %scan3A_102 = arith.constant 0 : i32
    %scan3A_103 = arith.constant 0 : i32
    %scan3A_104 = arith.constant 125 : i32
    %scan3A_105 = arith.addi %scan3A_103, %scan3A_104 : i32
    %scan3A_106 = arith.constant 1 : i32
    scf.for %scan3A_118 = %scan3A_103 to %scan3A_105 step %scan3A_106  : i32 {
      %mul3A_119 = arith.constant 2 : i32
      %mul3A_120 = arith.muli %scan3A_118, %mul3A_119 : i32
      %add3A_121 = arith.constant 0 : i32
      %add3A_122 = arith.addi %mul3A_120, %add3A_121 : i32
      %add3A_123 = arith.constant 1 : i32
      %add3A_124 = arith.addi %add3A_122, %add3A_123 : i32
      %lt3A = arith.constant 250 : i32
      %lt3A_125 = arith.cmpi slt, %add3A_124, %lt3A : i32
      %add3A_126 = arith.constant 1 : i32
      %add3A_127 = arith.addi %add3A_122, %add3A_126 : i32
      %rem3A_128 = arith.constant 125 : i32
      %rem3A_129 = arith.remsi %add3A_127, %rem3A_128 : i32
      %eq3A = arith.constant 0 : i32
      %eq3A_130 = arith.cmpi eq, %rem3A_129, %eq3A : i32
      %and3A = arith.andi %lt3A_125, %eq3A_130 : i1
      %convert_element_type3A = arith.extui %and3A : i1 to i32
      %cond3A = arith.constant 0 : i32
      %cond3A_131 = arith.cmpi ne, %convert_element_type3A, %cond3A : i32
      scf.if %cond3A_131 {
        %add3A_255 = arith.constant 1 : i32
        %add3A_256 = arith.addi %add3A_122, %add3A_255 : i32
        %jit3A = arith.constant 125 : i32
        %div3A = arith.divsi %add3A_256, %jit3A : i32
        %sign3A = arith.constant 0 : i32
        %sign3A_257 = arith.cmpi sgt, %add3A_256, %sign3A : i32
        %sign3A_258 = arith.extui %sign3A_257 : i1 to i32
        %sign3A_259 = arith.constant 0 : i32
        %sign3A_260 = arith.cmpi slt, %add3A_256, %sign3A_259 : i32
        %sign3A_261 = arith.extui %sign3A_260 : i1 to i32
        %sign3A_262 = arith.subi %sign3A_258, %sign3A_261 : i32
        %sign3A_263 = arith.constant 0 : i32
        %sign3A_264 = arith.cmpi sgt, %jit3A, %sign3A_263 : i32
        %sign3A_265 = arith.extui %sign3A_264 : i1 to i32
        %sign3A_266 = arith.constant 0 : i32
        %sign3A_267 = arith.cmpi slt, %jit3A, %sign3A_266 : i32
        %sign3A_268 = arith.extui %sign3A_267 : i1 to i32
        %sign3A_269 = arith.subi %sign3A_265, %sign3A_268 : i32
        %ne3A = arith.cmpi ne, %sign3A_262, %sign3A_269 : i32
        %rem3A_270 = arith.remsi %add3A_256, %jit3A : i32
        %ne3A_271 = arith.constant 0 : i32
        %ne3A_272 = arith.cmpi ne, %rem3A_270, %ne3A_271 : i32
        %and3A_273 = arith.andi %ne3A, %ne3A_272 : i1
        %sub3A_274 = arith.constant 1 : i32
        %sub3A_275 = arith.subi %div3A, %sub3A_274 : i32
        %select_n3A = arith.select %and3A_273, %sub3A_275, %div3A : i32
        %mul3A_276 = arith.constant 10000 : i32
        %mul3A_277 = arith.muli %select_n3A, %mul3A_276 : i32
        %add3A_278 = arith.addi %mul3A_11, %mul3A_277 : i32
        "tpu.region"() ({
          %run_scoped3A = tpu.sem_alloc : memref<!tpu.dma_semaphore, #tpu.memory_space<semaphore_mem>>
          %dma_start3A_279 = tpu.memref_slice %arg4[%add3A_278] : memref<320000xi32, #tpu.memory_space<hbm>> -> memref<10000xi32, #tpu.memory_space<hbm>>
          %dma_start3A_280 = tpu.memref_slice %arg4[%add3A_278] : memref<320000xi32, #tpu.memory_space<hbm>> -> memref<10000xi32, #tpu.memory_space<hbm>>
          tpu.enqueue_dma source(%dma_start3A_280 : memref<10000xi32, #tpu.memory_space<hbm>>) target(%arg7 : memref<10000xi32, #tpu.memory_space<vmem>>) target_semaphore(%run_scoped3A : memref<!tpu.dma_semaphore, #tpu.memory_space<semaphore_mem>>)
          %dma_wait3A_281 = tpu.memref_slice %arg4[%add3A_278] : memref<320000xi32, #tpu.memory_space<hbm>> -> memref<10000xi32, #tpu.memory_space<hbm>>
          %dma_wait3A_282 = tpu.memref_slice %arg4[%add3A_278] : memref<320000xi32, #tpu.memory_space<hbm>> -> memref<10000xi32, #tpu.memory_space<hbm>>
          tpu.wait_dma2 semaphore(%run_scoped3A : memref<!tpu.dma_semaphore, #tpu.memory_space<semaphore_mem>>) src(%dma_wait3A_282 : memref<10000xi32, #tpu.memory_space<hbm>>) dst(%arg7 : memref<10000xi32, #tpu.memory_space<vmem>>)
          tpu.yield
        }) : () -> ()
        "tpu.region"() ({
          %run_scoped3A = tpu.sem_alloc : memref<!tpu.dma_semaphore, #tpu.memory_space<semaphore_mem>>
          %dma_start3A_279 = tpu.memref_slice %arg5[%add3A_278] : memref<320000xi32, #tpu.memory_space<hbm>> -> memref<10000xi32, #tpu.memory_space<hbm>>
          %dma_start3A_280 = tpu.memref_slice %arg5[%add3A_278] : memref<320000xi32, #tpu.memory_space<hbm>> -> memref<10000xi32, #tpu.memory_space<hbm>>
          tpu.enqueue_dma source(%dma_start3A_280 : memref<10000xi32, #tpu.memory_space<hbm>>) target(%arg8 : memref<10000xi32, #tpu.memory_space<vmem>>) target_semaphore(%run_scoped3A : memref<!tpu.dma_semaphore, #tpu.memory_space<semaphore_mem>>)
          %dma_wait3A_281 = tpu.memref_slice %arg5[%add3A_278] : memref<320000xi32, #tpu.memory_space<hbm>> -> memref<10000xi32, #tpu.memory_space<hbm>>
          %dma_wait3A_282 = tpu.memref_slice %arg5[%add3A_278] : memref<320000xi32, #tpu.memory_space<hbm>> -> memref<10000xi32, #tpu.memory_space<hbm>>
          tpu.wait_dma2 semaphore(%run_scoped3A : memref<!tpu.dma_semaphore, #tpu.memory_space<semaphore_mem>>) src(%dma_wait3A_282 : memref<10000xi32, #tpu.memory_space<hbm>>) dst(%arg8 : memref<10000xi32, #tpu.memory_space<vmem>>)
          tpu.yield
        }) : () -> ()
      } else {
      }
      %add3A_132 = arith.constant 1 : i32
      %add3A_133 = arith.addi %add3A_122, %add3A_132 : i32
      %lt3A_134 = arith.constant 250 : i32
      %lt3A_135 = arith.cmpi slt, %add3A_133, %lt3A_134 : i32
      %convert_element_type3A_136 = arith.extui %lt3A_135 : i1 to i32
      %cond3A_137 = arith.constant 0 : i32
      %cond3A_138 = arith.cmpi ne, %convert_element_type3A_136, %cond3A_137 : i32
      scf.if %cond3A_138 {
        %add3A_255 = arith.constant 1 : i32
        %add3A_256 = arith.addi %add3A_122, %add3A_255 : i32
        %rem3A_257 = arith.constant 125 : i32
        %rem3A_258 = arith.remsi %add3A_256, %rem3A_257 : i32
        %mul3A_259 = arith.constant 80 : i32
        %mul3A_260 = arith.muli %rem3A_258, %mul3A_259 : i32
        %add3A_261 = arith.constant 0 : i32
        %add3A_262 = arith.addi %mul3A_260, %add3A_261 : i32
        %get3A_263 = arith.index_cast %add3A_262 : i32 to index
        %get3A_264 = tpu.vector_load %arg7[%get3A_263] {strides = array<i32>} : memref<10000xi32, #tpu.memory_space<vmem>>, vector<16xi32>,
        %add3A_265 = vector.broadcast %mul3A_13 : i32 to vector<16xi32>
        %add3A_266 = arith.addi %get3A_264, %add3A_265 : vector<16xi32>
        %swap3A_267 = arith.constant 0 : index
        %swap3A_268 = tpu.vector_load %arg10[%swap3A_267] {strides = array<i32>} : memref<80xi32, #tpu.memory_space<vmem>>, vector<16xi32>,
        tpu.vector_store %arg10[%swap3A_267], %add3A_266 {strides = array<i32>} : memref<80xi32, #tpu.memory_space<vmem>>, vector<16xi32>,
        %add3A_269 = arith.constant 0 : i32
        %add3A_270 = arith.addi %mul3A_260, %add3A_269 : i32
        %get3A_271 = arith.index_cast %add3A_270 : i32 to index
        %get3A_272 = tpu.vector_load %arg8[%get3A_271] {strides = array<i32>} : memref<10000xi32, #tpu.memory_space<vmem>>, vector<16xi32>,
        %add3A_273 = vector.broadcast %mul3A_13 : i32 to vector<16xi32>
        %add3A_274 = arith.addi %get3A_272, %add3A_273 : vector<16xi32>
        %swap3A_275 = arith.constant 0 : index
        %swap3A_276 = tpu.vector_load %arg12[%swap3A_275] {strides = array<i32>} : memref<80xi32, #tpu.memory_space<vmem>>, vector<16xi32>,
        tpu.vector_store %arg12[%swap3A_275], %add3A_274 {strides = array<i32>} : memref<80xi32, #tpu.memory_space<vmem>>, vector<16xi32>,
        %add3A_277 = arith.constant 16 : i32
        %add3A_278 = arith.addi %mul3A_260, %add3A_277 : i32
        %get3A_279 = arith.index_cast %add3A_278 : i32 to index
        %get3A_280 = tpu.vector_load %arg7[%get3A_279] {strides = array<i32>} : memref<10000xi32, #tpu.memory_space<vmem>>, vector<16xi32>,
        %add3A_281 = vector.broadcast %mul3A_13 : i32 to vector<16xi32>
        %add3A_282 = arith.addi %get3A_280, %add3A_281 : vector<16xi32>
        %swap3A_283 = arith.constant 16 : index
        %swap3A_284 = tpu.vector_load %arg10[%swap3A_283] {strides = array<i32>} : memref<80xi32, #tpu.memory_space<vmem>>, vector<16xi32>,
        tpu.vector_store %arg10[%swap3A_283], %add3A_282 {strides = array<i32>} : memref<80xi32, #tpu.memory_space<vmem>>, vector<16xi32>,
        %add3A_285 = arith.constant 16 : i32
        %add3A_286 = arith.addi %mul3A_260, %add3A_285 : i32
        %get3A_287 = arith.index_cast %add3A_286 : i32 to index
        %get3A_288 = tpu.vector_load %arg8[%get3A_287] {strides = array<i32>} : memref<10000xi32, #tpu.memory_space<vmem>>, vector<16xi32>,
        %add3A_289 = vector.broadcast %mul3A_13 : i32 to vector<16xi32>
        %add3A_290 = arith.addi %get3A_288, %add3A_289 : vector<16xi32>
        %swap3A_291 = arith.constant 16 : index
        %swap3A_292 = tpu.vector_load %arg12[%swap3A_291] {strides = array<i32>} : memref<80xi32, #tpu.memory_space<vmem>>, vector<16xi32>,
        tpu.vector_store %arg12[%swap3A_291], %add3A_290 {strides = array<i32>} : memref<80xi32, #tpu.memory_space<vmem>>, vector<16xi32>,
        %add3A_293 = arith.constant 32 : i32
        %add3A_294 = arith.addi %mul3A_260, %add3A_293 : i32
        %get3A_295 = arith.index_cast %add3A_294 : i32 to index
        %get3A_296 = tpu.vector_load %arg7[%get3A_295] {strides = array<i32>} : memref<10000xi32, #tpu.memory_space<vmem>>, vector<16xi32>,
        %add3A_297 = vector.broadcast %mul3A_13 : i32 to vector<16xi32>
        %add3A_298 = arith.addi %get3A_296, %add3A_297 : vector<16xi32>
        %swap3A_299 = arith.constant 32 : index
        %swap3A_300 = tpu.vector_load %arg10[%swap3A_299] {strides = array<i32>} : memref<80xi32, #tpu.memory_space<vmem>>, vector<16xi32>,
        tpu.vector_store %arg10[%swap3A_299], %add3A_298 {strides = array<i32>} : memref<80xi32, #tpu.memory_space<vmem>>, vector<16xi32>,
        %add3A_301 = arith.constant 32 : i32
        %add3A_302 = arith.addi %mul3A_260, %add3A_301 : i32
        %get3A_303 = arith.index_cast %add3A_302 : i32 to index
        %get3A_304 = tpu.vector_load %arg8[%get3A_303] {strides = array<i32>} : memref<10000xi32, #tpu.memory_space<vmem>>, vector<16xi32>,
        %add3A_305 = vector.broadcast %mul3A_13 : i32 to vector<16xi32>
        %add3A_306 = arith.addi %get3A_304, %add3A_305 : vector<16xi32>
        %swap3A_307 = arith.constant 32 : index
        %swap3A_308 = tpu.vector_load %arg12[%swap3A_307] {strides = array<i32>} : memref<80xi32, #tpu.memory_space<vmem>>, vector<16xi32>,
        tpu.vector_store %arg12[%swap3A_307], %add3A_306 {strides = array<i32>} : memref<80xi32, #tpu.memory_space<vmem>>, vector<16xi32>,
        %add3A_309 = arith.constant 48 : i32
        %add3A_310 = arith.addi %mul3A_260, %add3A_309 : i32
        %get3A_311 = arith.index_cast %add3A_310 : i32 to index
        %get3A_312 = tpu.vector_load %arg7[%get3A_311] {strides = array<i32>} : memref<10000xi32, #tpu.memory_space<vmem>>, vector<16xi32>,
        %add3A_313 = vector.broadcast %mul3A_13 : i32 to vector<16xi32>
        %add3A_314 = arith.addi %get3A_312, %add3A_313 : vector<16xi32>
        %swap3A_315 = arith.constant 48 : index
        %swap3A_316 = tpu.vector_load %arg10[%swap3A_315] {strides = array<i32>} : memref<80xi32, #tpu.memory_space<vmem>>, vector<16xi32>,
        tpu.vector_store %arg10[%swap3A_315], %add3A_314 {strides = array<i32>} : memref<80xi32, #tpu.memory_space<vmem>>, vector<16xi32>,
        %add3A_317 = arith.constant 48 : i32
        %add3A_318 = arith.addi %mul3A_260, %add3A_317 : i32
        %get3A_319 = arith.index_cast %add3A_318 : i32 to index
        %get3A_320 = tpu.vector_load %arg8[%get3A_319] {strides = array<i32>} : memref<10000xi32, #tpu.memory_space<vmem>>, vector<16xi32>,
        %add3A_321 = vector.broadcast %mul3A_13 : i32 to vector<16xi32>
        %add3A_322 = arith.addi %get3A_320, %add3A_321 : vector<16xi32>
        %swap3A_323 = arith.constant 48 : index
        %swap3A_324 = tpu.vector_load %arg12[%swap3A_323] {strides = array<i32>} : memref<80xi32, #tpu.memory_space<vmem>>, vector<16xi32>,
        tpu.vector_store %arg12[%swap3A_323], %add3A_322 {strides = array<i32>} : memref<80xi32, #tpu.memory_space<vmem>>, vector<16xi32>,
        %add3A_325 = arith.constant 64 : i32
        %add3A_326 = arith.addi %mul3A_260, %add3A_325 : i32
        %get3A_327 = arith.index_cast %add3A_326 : i32 to index
        %get3A_328 = tpu.vector_load %arg7[%get3A_327] {strides = array<i32>} : memref<10000xi32, #tpu.memory_space<vmem>>, vector<16xi32>,
        %add3A_329 = vector.broadcast %mul3A_13 : i32 to vector<16xi32>
        %add3A_330 = arith.addi %get3A_328, %add3A_329 : vector<16xi32>
        %swap3A_331 = arith.constant 64 : index
        %swap3A_332 = tpu.vector_load %arg10[%swap3A_331] {strides = array<i32>} : memref<80xi32, #tpu.memory_space<vmem>>, vector<16xi32>,
        tpu.vector_store %arg10[%swap3A_331], %add3A_330 {strides = array<i32>} : memref<80xi32, #tpu.memory_space<vmem>>, vector<16xi32>,
        %add3A_333 = arith.constant 64 : i32
        %add3A_334 = arith.addi %mul3A_260, %add3A_333 : i32
        %get3A_335 = arith.index_cast %add3A_334 : i32 to index
        %get3A_336 = tpu.vector_load %arg8[%get3A_335] {strides = array<i32>} : memref<10000xi32, #tpu.memory_space<vmem>>, vector<16xi32>,
        %add3A_337 = vector.broadcast %mul3A_13 : i32 to vector<16xi32>
        %add3A_338 = arith.addi %get3A_336, %add3A_337 : vector<16xi32>
        %swap3A_339 = arith.constant 64 : index
        %swap3A_340 = tpu.vector_load %arg12[%swap3A_339] {strides = array<i32>} : memref<80xi32, #tpu.memory_space<vmem>>, vector<16xi32>,
        tpu.vector_store %arg12[%swap3A_339], %add3A_338 {strides = array<i32>} : memref<80xi32, #tpu.memory_space<vmem>>, vector<16xi32>,
        %dma_start3A_341 = arith.constant 0 : i32
        %dma_start3A_342 = arith.constant 0 : i32
        %dma_start3A_343 = tpu.memref_slice %arg2[%dma_start3A_341, %dma_start3A_342] : memref<20000x64xbf16, #tpu.memory_space<hbm>> -> memref<20000x64xbf16, #tpu.memory_space<hbm>>
        tpu.enqueue_indirect_dma source(%dma_start3A_343 : memref<20000x64xbf16, #tpu.memory_space<hbm>>) target(%arg16 : memref<80x64xbf16, #tpu.memory_space<vmem>>) offsets(%arg10 : memref<80xi32, #tpu.memory_space<vmem>>) semaphore(%arg23 : memref<!tpu.dma_semaphore, #tpu.memory_space<semaphore_mem>>)
        %dma_start3A_344 = arith.constant 0 : i32
        %dma_start3A_345 = arith.constant 0 : i32
        %dma_start3A_346 = tpu.memref_slice %arg3[%dma_start3A_344, %dma_start3A_345] : memref<20000x128xbf16, #tpu.memory_space<hbm>> -> memref<20000x128xbf16, #tpu.memory_space<hbm>>
        tpu.enqueue_indirect_dma source(%dma_start3A_346 : memref<20000x128xbf16, #tpu.memory_space<hbm>>) target(%arg18 : memref<80x128xbf16, #tpu.memory_space<vmem>>) offsets(%arg12 : memref<80xi32, #tpu.memory_space<vmem>>) semaphore(%arg25 : memref<!tpu.dma_semaphore, #tpu.memory_space<semaphore_mem>>)
      } else {
      }
      %dma_wait3A_139 = arith.constant 0 : i32
      %dma_wait3A_140 = arith.constant 0 : i32
      %dma_wait3A_141 = tpu.memref_slice %arg2[%dma_wait3A_139, %dma_wait3A_140] : memref<20000x64xbf16, #tpu.memory_space<hbm>> -> memref<20000x64xbf16, #tpu.memory_space<hbm>>
      tpu.wait_indirect_dma semaphore(%arg22 : memref<!tpu.dma_semaphore, #tpu.memory_space<semaphore_mem>>) src(%dma_wait3A_141 : memref<20000x64xbf16, #tpu.memory_space<hbm>>) dst(%arg15 : memref<80x64xbf16, #tpu.memory_space<vmem>>)
      %dma_wait3A_142 = arith.constant 0 : i32
      %dma_wait3A_143 = arith.constant 0 : i32
      %dma_wait3A_144 = tpu.memref_slice %arg3[%dma_wait3A_142, %dma_wait3A_143] : memref<20000x128xbf16, #tpu.memory_space<hbm>> -> memref<20000x128xbf16, #tpu.memory_space<hbm>>
      tpu.wait_indirect_dma semaphore(%arg24 : memref<!tpu.dma_semaphore, #tpu.memory_space<semaphore_mem>>) src(%dma_wait3A_144 : memref<20000x128xbf16, #tpu.memory_space<hbm>>) dst(%arg17 : memref<80x128xbf16, #tpu.memory_space<vmem>>)
      %ge3A = arith.constant 2 : i32
      %ge3A_145 = arith.cmpi sge, %add3A_122, %ge3A : i32
      %convert_element_type3A_146 = arith.extui %ge3A_145 : i1 to i32
      %cond3A_147 = arith.constant 0 : i32
      %cond3A_148 = arith.cmpi ne, %convert_element_type3A_146, %cond3A_147 : i32
      scf.if %cond3A_148 {
        %dma_wait3A_255 = arith.constant 0 : i32
        %dma_wait3A_256 = arith.constant 0 : i32
        %dma_wait3A_257 = tpu.memref_slice %arg21[%dma_wait3A_255, %dma_wait3A_256] : memref<10240x80xf32, #tpu.memory_space<vmem_shared>> -> memref<10240x80xf32, #tpu.memory_space<vmem_shared>>
        tpu.wait_indirect_dma semaphore(%arg26 : memref<!tpu.dma_semaphore, #tpu.memory_space<semaphore_mem>>) src(%arg19 : memref<80x80xf32, #tpu.memory_space<vmem>>) dst(%dma_wait3A_257 : memref<10240x80xf32, #tpu.memory_space<vmem_shared>>)
      } else {
      }
      %parallel_loop3A = arith.constant 0 : i32
      %parallel_loop3A_149 = arith.constant 80 : i32
      %parallel_loop3A_150 = arith.constant 1 : i32
      scf.for %parallel_loop3A_255 = %parallel_loop3A to %parallel_loop3A_149 step %parallel_loop3A_150  : i32 {
        %parallel_loop3A_256 = tpu.iota {dimensions = array<i32: 0>} : vector<16xi32>
        %parallel_loop3A_257 = arith.index_cast %parallel_loop3A_255 : i32 to index
        %parallel_loop3A_258 = arith.constant 0 : index
        %parallel_loop3A_259 = tpu.vector_load %arg15[%parallel_loop3A_257, %parallel_loop3A_258] {strides = array<i32>} : memref<80x64xbf16, #tpu.memory_space<vmem>>, vector<32xbf16>,
        %parallel_loop3A_260 = tpu.unpack_subelements %parallel_loop3A_259, 0 {pack_format = #tpu.pack_format<interleaved>} : vector<32xbf16> -> vector<16xf32>
        %parallel_loop3A_261 = tpu.unpack_subelements %parallel_loop3A_259, 1 {pack_format = #tpu.pack_format<interleaved>} : vector<32xbf16> -> vector<16xf32>
        %parallel_loop3A_262 = arith.index_cast %parallel_loop3A_255 : i32 to index
        %parallel_loop3A_263 = arith.constant 32 : index
        %parallel_loop3A_264 = tpu.vector_load %arg15[%parallel_loop3A_262, %parallel_loop3A_263] {strides = array<i32>} : memref<80x64xbf16, #tpu.memory_space<vmem>>, vector<32xbf16>,
        %parallel_loop3A_265 = tpu.unpack_subelements %parallel_loop3A_264, 0 {pack_format = #tpu.pack_format<interleaved>} : vector<32xbf16> -> vector<16xf32>
        %parallel_loop3A_266 = tpu.unpack_subelements %parallel_loop3A_264, 1 {pack_format = #tpu.pack_format<interleaved>} : vector<32xbf16> -> vector<16xf32>
        %parallel_loop3A_267 = arith.index_cast %parallel_loop3A_255 : i32 to index
        %parallel_loop3A_268 = arith.constant 0 : index
        %parallel_loop3A_269 = tpu.vector_load %arg17[%parallel_loop3A_267, %parallel_loop3A_268] {strides = array<i32>} : memref<80x128xbf16, #tpu.memory_space<vmem>>, vector<32xbf16>,
        %parallel_loop3A_270 = tpu.unpack_subelements %parallel_loop3A_269, 0 {pack_format = #tpu.pack_format<interleaved>} : vector<32xbf16> -> vector<16xf32>
        %parallel_loop3A_271 = tpu.unpack_subelements %parallel_loop3A_269, 1 {pack_format = #tpu.pack_format<interleaved>} : vector<32xbf16> -> vector<16xf32>
        %parallel_loop3A_272 = arith.index_cast %parallel_loop3A_255 : i32 to index
        %parallel_loop3A_273 = arith.constant 32 : index
        %parallel_loop3A_274 = tpu.vector_load %arg17[%parallel_loop3A_272, %parallel_loop3A_273] {strides = array<i32>} : memref<80x128xbf16, #tpu.memory_space<vmem>>, vector<32xbf16>,
        %parallel_loop3A_275 = tpu.unpack_subelements %parallel_loop3A_274, 0 {pack_format = #tpu.pack_format<interleaved>} : vector<32xbf16> -> vector<16xf32>
        %parallel_loop3A_276 = tpu.unpack_subelements %parallel_loop3A_274, 1 {pack_format = #tpu.pack_format<interleaved>} : vector<32xbf16> -> vector<16xf32>
        %parallel_loop3A_277 = arith.mulf %parallel_loop3A_260, %parallel_loop3A_270 : vector<16xf32>
        %parallel_loop3A_278 = arith.mulf %parallel_loop3A_261, %parallel_loop3A_271 : vector<16xf32>
        %parallel_loop3A_279 = arith.addf %parallel_loop3A_277, %parallel_loop3A_278 : vector<16xf32>
        %parallel_loop3A_280 = arith.mulf %parallel_loop3A_265, %parallel_loop3A_275 : vector<16xf32>
        %parallel_loop3A_281 = arith.addf %parallel_loop3A_279, %parallel_loop3A_280 : vector<16xf32>
        %parallel_loop3A_282 = arith.mulf %parallel_loop3A_266, %parallel_loop3A_276 : vector<16xf32>
        %parallel_loop3A_283 = arith.addf %parallel_loop3A_281, %parallel_loop3A_282 : vector<16xf32>
        %parallel_loop3A_284 = arith.constant 7 : i32
        %parallel_loop3A_285 = vector.broadcast %parallel_loop3A_284 : i32 to vector<16xi32>
        %parallel_loop3A_286 = arith.andi %parallel_loop3A_256, %parallel_loop3A_285 : vector<16xi32>
        %parallel_loop3A_287 = arith.constant 8 : i32
        %parallel_loop3A_288 = vector.broadcast %parallel_loop3A_287 : i32 to vector<16xi32>
        %parallel_loop3A_289 = arith.addi %parallel_loop3A_288, %parallel_loop3A_286 : vector<16xi32>
        %parallel_loop3A_290 = vector.shape_cast %parallel_loop3A_289 : vector<16xi32> to vector<16x1xi32>
        %parallel_loop3A_291 = vector.shape_cast %parallel_loop3A_290 : vector<16x1xi32> to vector<16xi32>
        %parallel_loop3A_292 = tpu.dynamic_gather %parallel_loop3A_283[%parallel_loop3A_291] in [0] : vector<16xf32>, vector<16xi32> -> vector<16xf32>
        %parallel_loop3A_293 = arith.addf %parallel_loop3A_283, %parallel_loop3A_292 : vector<16xf32>
        %parallel_loop3A_294 = arith.constant 3 : i32
        %parallel_loop3A_295 = vector.broadcast %parallel_loop3A_294 : i32 to vector<16xi32>
        %parallel_loop3A_296 = arith.andi %parallel_loop3A_256, %parallel_loop3A_295 : vector<16xi32>
        %parallel_loop3A_297 = arith.constant 4 : i32
        %parallel_loop3A_298 = vector.broadcast %parallel_loop3A_297 : i32 to vector<16xi32>
        %parallel_loop3A_299 = arith.addi %parallel_loop3A_298, %parallel_loop3A_296 : vector<16xi32>
        %parallel_loop3A_300 = vector.shape_cast %parallel_loop3A_299 : vector<16xi32> to vector<16x1xi32>
        %parallel_loop3A_301 = vector.shape_cast %parallel_loop3A_300 : vector<16x1xi32> to vector<16xi32>
        %parallel_loop3A_302 = tpu.dynamic_gather %parallel_loop3A_293[%parallel_loop3A_301] in [0] : vector<16xf32>, vector<16xi32> -> vector<16xf32>
        %parallel_loop3A_303 = arith.addf %parallel_loop3A_293, %parallel_loop3A_302 : vector<16xf32>
        %parallel_loop3A_304 = arith.constant 2.500000e-01 : f32
        %parallel_loop3A_305 = vector.broadcast %parallel_loop3A_304 : f32 to vector<16xf32>
        %parallel_loop3A_306 = arith.mulf %parallel_loop3A_303, %parallel_loop3A_305 : vector<16xf32>
        %parallel_loop3A_307 = math.exp %parallel_loop3A_306 : vector<16xf32>
        %parallel_loop3A_308 = arith.constant 3 : i32
        %parallel_loop3A_309 = vector.broadcast %parallel_loop3A_308 : i32 to vector<16xi32>
        %parallel_loop3A_310 = arith.andi %parallel_loop3A_256, %parallel_loop3A_309 : vector<16xi32>
        %parallel_loop3A_311 = vector.shape_cast %parallel_loop3A_310 : vector<16xi32> to vector<16x1xi32>
        %parallel_loop3A_312 = vector.shape_cast %parallel_loop3A_311 : vector<16x1xi32> to vector<16xi32>
        %parallel_loop3A_313 = tpu.dynamic_gather %parallel_loop3A_307[%parallel_loop3A_312] in [0] : vector<16xf32>, vector<16xi32> -> vector<16xf32>
        %parallel_loop3A_314 = arith.index_cast %parallel_loop3A_255 : i32 to index
        %parallel_loop3A_315 = arith.constant 64 : index
        %parallel_loop3A_316 = tpu.vector_load %arg17[%parallel_loop3A_314, %parallel_loop3A_315] {strides = array<i32>} : memref<80x128xbf16, #tpu.memory_space<vmem>>, vector<32xbf16>,
        %parallel_loop3A_317 = tpu.unpack_subelements %parallel_loop3A_316, 0 {pack_format = #tpu.pack_format<interleaved>} : vector<32xbf16> -> vector<16xf32>
        %parallel_loop3A_318 = tpu.unpack_subelements %parallel_loop3A_316, 1 {pack_format = #tpu.pack_format<interleaved>} : vector<32xbf16> -> vector<16xf32>
        %parallel_loop3A_319 = arith.index_cast %parallel_loop3A_255 : i32 to index
        %parallel_loop3A_320 = arith.constant 96 : index
        %parallel_loop3A_321 = tpu.vector_load %arg17[%parallel_loop3A_319, %parallel_loop3A_320] {strides = array<i32>} : memref<80x128xbf16, #tpu.memory_space<vmem>>, vector<32xbf16>,
        %parallel_loop3A_322 = tpu.unpack_subelements %parallel_loop3A_321, 0 {pack_format = #tpu.pack_format<interleaved>} : vector<32xbf16> -> vector<16xf32>
        %parallel_loop3A_323 = tpu.unpack_subelements %parallel_loop3A_321, 1 {pack_format = #tpu.pack_format<interleaved>} : vector<32xbf16> -> vector<16xf32>
        %parallel_loop3A_324 = arith.mulf %parallel_loop3A_317, %parallel_loop3A_313 : vector<16xf32>
        %parallel_loop3A_325 = arith.index_cast %parallel_loop3A_255 : i32 to index
        %parallel_loop3A_326 = arith.constant 0 : index
        %parallel_loop3A_327 = tpu.vector_load %arg19[%parallel_loop3A_325, %parallel_loop3A_326] {strides = array<i32>} : memref<80x80xf32, #tpu.memory_space<vmem>>, vector<16xf32>,
        tpu.vector_store %arg19[%parallel_loop3A_325, %parallel_loop3A_326], %parallel_loop3A_324 {strides = array<i32>} : memref<80x80xf32, #tpu.memory_space<vmem>>, vector<16xf32>,
        %parallel_loop3A_328 = arith.mulf %parallel_loop3A_318, %parallel_loop3A_313 : vector<16xf32>
        %parallel_loop3A_329 = arith.index_cast %parallel_loop3A_255 : i32 to index
        %parallel_loop3A_330 = arith.constant 16 : index
        %parallel_loop3A_331 = tpu.vector_load %arg19[%parallel_loop3A_329, %parallel_loop3A_330] {strides = array<i32>} : memref<80x80xf32, #tpu.memory_space<vmem>>, vector<16xf32>,
        tpu.vector_store %arg19[%parallel_loop3A_329, %parallel_loop3A_330], %parallel_loop3A_328 {strides = array<i32>} : memref<80x80xf32, #tpu.memory_space<vmem>>, vector<16xf32>,
        %parallel_loop3A_332 = arith.mulf %parallel_loop3A_322, %parallel_loop3A_313 : vector<16xf32>
        %parallel_loop3A_333 = arith.index_cast %parallel_loop3A_255 : i32 to index
        %parallel_loop3A_334 = arith.constant 32 : index
        %parallel_loop3A_335 = tpu.vector_load %arg19[%parallel_loop3A_333, %parallel_loop3A_334] {strides = array<i32>} : memref<80x80xf32, #tpu.memory_space<vmem>>, vector<16xf32>,
        tpu.vector_store %arg19[%parallel_loop3A_333, %parallel_loop3A_334], %parallel_loop3A_332 {strides = array<i32>} : memref<80x80xf32, #tpu.memory_space<vmem>>, vector<16xf32>,
        %parallel_loop3A_336 = arith.mulf %parallel_loop3A_323, %parallel_loop3A_313 : vector<16xf32>
        %parallel_loop3A_337 = arith.index_cast %parallel_loop3A_255 : i32 to index
        %parallel_loop3A_338 = arith.constant 48 : index
        %parallel_loop3A_339 = tpu.vector_load %arg19[%parallel_loop3A_337, %parallel_loop3A_338] {strides = array<i32>} : memref<80x80xf32, #tpu.memory_space<vmem>>, vector<16xf32>,
        tpu.vector_store %arg19[%parallel_loop3A_337, %parallel_loop3A_338], %parallel_loop3A_336 {strides = array<i32>} : memref<80x80xf32, #tpu.memory_space<vmem>>, vector<16xf32>,
        %parallel_loop3A_340 = arith.index_cast %parallel_loop3A_255 : i32 to index
        %parallel_loop3A_341 = arith.constant 64 : index
        %parallel_loop3A_342 = tpu.vector_load %arg19[%parallel_loop3A_340, %parallel_loop3A_341] {strides = array<i32>} : memref<80x80xf32, #tpu.memory_space<vmem>>, vector<16xf32>,
        tpu.vector_store %arg19[%parallel_loop3A_340, %parallel_loop3A_341], %parallel_loop3A_307 {strides = array<i32>} : memref<80x80xf32, #tpu.memory_space<vmem>>, vector<16xf32>,
      } {sc.loop_unroll_factor = 4 : i64, sc.parallel_access}
      %get3A_151 = arith.constant 0 : index
      %get3A_152 = tpu.vector_load %arg9[%get3A_151] {strides = array<i32>} : memref<80xi32, #tpu.memory_space<vmem>>, vector<16xi32>,
      %sub3A = vector.broadcast %mul3A_13 : i32 to vector<16xi32>
      %sub3A_153 = arith.subi %get3A_152, %sub3A : vector<16xi32>
      %swap3A_154 = arith.constant 0 : index
      %swap3A_155 = tpu.vector_load %arg13[%swap3A_154] {strides = array<i32>} : memref<80xi32, #tpu.memory_space<vmem>>, vector<16xi32>,
      tpu.vector_store %arg13[%swap3A_154], %sub3A_153 {strides = array<i32>} : memref<80xi32, #tpu.memory_space<vmem>>, vector<16xi32>,
      %get3A_156 = arith.constant 16 : index
      %get3A_157 = tpu.vector_load %arg9[%get3A_156] {strides = array<i32>} : memref<80xi32, #tpu.memory_space<vmem>>, vector<16xi32>,
      %sub3A_158 = vector.broadcast %mul3A_13 : i32 to vector<16xi32>
      %sub3A_159 = arith.subi %get3A_157, %sub3A_158 : vector<16xi32>
      %swap3A_160 = arith.constant 16 : index
      %swap3A_161 = tpu.vector_load %arg13[%swap3A_160] {strides = array<i32>} : memref<80xi32, #tpu.memory_space<vmem>>, vector<16xi32>,
      tpu.vector_store %arg13[%swap3A_160], %sub3A_159 {strides = array<i32>} : memref<80xi32, #tpu.memory_space<vmem>>, vector<16xi32>,
      %get3A_162 = arith.constant 32 : index
      %get3A_163 = tpu.vector_load %arg9[%get3A_162] {strides = array<i32>} : memref<80xi32, #tpu.memory_space<vmem>>, vector<16xi32>,
      %sub3A_164 = vector.broadcast %mul3A_13 : i32 to vector<16xi32>
      %sub3A_165 = arith.subi %get3A_163, %sub3A_164 : vector<16xi32>
      %swap3A_166 = arith.constant 32 : index
      %swap3A_167 = tpu.vector_load %arg13[%swap3A_166] {strides = array<i32>} : memref<80xi32, #tpu.memory_space<vmem>>, vector<16xi32>,
      tpu.vector_store %arg13[%swap3A_166], %sub3A_165 {strides = array<i32>} : memref<80xi32, #tpu.memory_space<vmem>>, vector<16xi32>,
      %get3A_168 = arith.constant 48 : index
      %get3A_169 = tpu.vector_load %arg9[%get3A_168] {strides = array<i32>} : memref<80xi32, #tpu.memory_space<vmem>>, vector<16xi32>,
      %sub3A_170 = vector.broadcast %mul3A_13 : i32 to vector<16xi32>
      %sub3A_171 = arith.subi %get3A_169, %sub3A_170 : vector<16xi32>
      %swap3A_172 = arith.constant 48 : index
      %swap3A_173 = tpu.vector_load %arg13[%swap3A_172] {strides = array<i32>} : memref<80xi32, #tpu.memory_space<vmem>>, vector<16xi32>,
      tpu.vector_store %arg13[%swap3A_172], %sub3A_171 {strides = array<i32>} : memref<80xi32, #tpu.memory_space<vmem>>, vector<16xi32>,
      %get3A_174 = arith.constant 64 : index
      %get3A_175 = tpu.vector_load %arg9[%get3A_174] {strides = array<i32>} : memref<80xi32, #tpu.memory_space<vmem>>, vector<16xi32>,
      %sub3A_176 = vector.broadcast %mul3A_13 : i32 to vector<16xi32>
      %sub3A_177 = arith.subi %get3A_175, %sub3A_176 : vector<16xi32>
      %swap3A_178 = arith.constant 64 : index
      %swap3A_179 = tpu.vector_load %arg13[%swap3A_178] {strides = array<i32>} : memref<80xi32, #tpu.memory_space<vmem>>, vector<16xi32>,
      tpu.vector_store %arg13[%swap3A_178], %sub3A_177 {strides = array<i32>} : memref<80xi32, #tpu.memory_space<vmem>>, vector<16xi32>,
      %dma_start3A_180 = arith.constant 0 : i32
      %dma_start3A_181 = arith.constant 0 : i32
      %dma_start3A_182 = tpu.memref_slice %arg21[%dma_start3A_180, %dma_start3A_181] : memref<10240x80xf32, #tpu.memory_space<vmem_shared>> -> memref<10240x80xf32, #tpu.memory_space<vmem_shared>>
      tpu.enqueue_indirect_dma source(%arg19 : memref<80x80xf32, #tpu.memory_space<vmem>>) target(%dma_start3A_182 : memref<10240x80xf32, #tpu.memory_space<vmem_shared>>) offsets(%arg13 : memref<80xi32, #tpu.memory_space<vmem>>) semaphore(%arg26 : memref<!tpu.dma_semaphore, #tpu.memory_space<semaphore_mem>>) {add = true}
      %mul3A_183 = arith.constant 2 : i32
      %mul3A_184 = arith.muli %scan3A_118, %mul3A_183 : i32
      %add3A_185 = arith.constant 1 : i32
      %add3A_186 = arith.addi %mul3A_184, %add3A_185 : i32
      %add3A_187 = arith.constant 1 : i32
      %add3A_188 = arith.addi %add3A_186, %add3A_187 : i32
      %lt3A_189 = arith.constant 250 : i32
      %lt3A_190 = arith.cmpi slt, %add3A_188, %lt3A_189 : i32
      %add3A_191 = arith.constant 1 : i32
      %add3A_192 = arith.addi %add3A_186, %add3A_191 : i32
      %rem3A_193 = arith.constant 125 : i32
      %rem3A_194 = arith.remsi %add3A_192, %rem3A_193 : i32
      %eq3A_195 = arith.constant 0 : i32
      %eq3A_196 = arith.cmpi eq, %rem3A_194, %eq3A_195 : i32
      %and3A_197 = arith.andi %lt3A_190, %eq3A_196 : i1
      %convert_element_type3A_198 = arith.extui %and3A_197 : i1 to i32
      %cond3A_199 = arith.constant 0 : i32
      %cond3A_200 = arith.cmpi ne, %convert_element_type3A_198, %cond3A_199 : i32
      scf.if %cond3A_200 {
        %add3A_255 = arith.constant 1 : i32
        %add3A_256 = arith.addi %add3A_186, %add3A_255 : i32
        %jit3A = arith.constant 125 : i32
        %div3A = arith.divsi %add3A_256, %jit3A : i32
        %sign3A = arith.constant 0 : i32
        %sign3A_257 = arith.cmpi sgt, %add3A_256, %sign3A : i32
        %sign3A_258 = arith.extui %sign3A_257 : i1 to i32
        %sign3A_259 = arith.constant 0 : i32
        %sign3A_260 = arith.cmpi slt, %add3A_256, %sign3A_259 : i32
        %sign3A_261 = arith.extui %sign3A_260 : i1 to i32
        %sign3A_262 = arith.subi %sign3A_258, %sign3A_261 : i32
        %sign3A_263 = arith.constant 0 : i32
        %sign3A_264 = arith.cmpi sgt, %jit3A, %sign3A_263 : i32
        %sign3A_265 = arith.extui %sign3A_264 : i1 to i32
        %sign3A_266 = arith.constant 0 : i32
        %sign3A_267 = arith.cmpi slt, %jit3A, %sign3A_266 : i32
        %sign3A_268 = arith.extui %sign3A_267 : i1 to i32
        %sign3A_269 = arith.subi %sign3A_265, %sign3A_268 : i32
        %ne3A = arith.cmpi ne, %sign3A_262, %sign3A_269 : i32
        %rem3A_270 = arith.remsi %add3A_256, %jit3A : i32
        %ne3A_271 = arith.constant 0 : i32
        %ne3A_272 = arith.cmpi ne, %rem3A_270, %ne3A_271 : i32
        %and3A_273 = arith.andi %ne3A, %ne3A_272 : i1
        %sub3A_274 = arith.constant 1 : i32
        %sub3A_275 = arith.subi %div3A, %sub3A_274 : i32
        %select_n3A = arith.select %and3A_273, %sub3A_275, %div3A : i32
        %mul3A_276 = arith.constant 10000 : i32
        %mul3A_277 = arith.muli %select_n3A, %mul3A_276 : i32
        %add3A_278 = arith.addi %mul3A_11, %mul3A_277 : i32
        "tpu.region"() ({
          %run_scoped3A = tpu.sem_alloc : memref<!tpu.dma_semaphore, #tpu.memory_space<semaphore_mem>>
          %dma_start3A_279 = tpu.memref_slice %arg4[%add3A_278] : memref<320000xi32, #tpu.memory_space<hbm>> -> memref<10000xi32, #tpu.memory_space<hbm>>
          %dma_start3A_280 = tpu.memref_slice %arg4[%add3A_278] : memref<320000xi32, #tpu.memory_space<hbm>> -> memref<10000xi32, #tpu.memory_space<hbm>>
          tpu.enqueue_dma source(%dma_start3A_280 : memref<10000xi32, #tpu.memory_space<hbm>>) target(%arg7 : memref<10000xi32, #tpu.memory_space<vmem>>) target_semaphore(%run_scoped3A : memref<!tpu.dma_semaphore, #tpu.memory_space<semaphore_mem>>)
          %dma_wait3A_281 = tpu.memref_slice %arg4[%add3A_278] : memref<320000xi32, #tpu.memory_space<hbm>> -> memref<10000xi32, #tpu.memory_space<hbm>>
          %dma_wait3A_282 = tpu.memref_slice %arg4[%add3A_278] : memref<320000xi32, #tpu.memory_space<hbm>> -> memref<10000xi32, #tpu.memory_space<hbm>>
          tpu.wait_dma2 semaphore(%run_scoped3A : memref<!tpu.dma_semaphore, #tpu.memory_space<semaphore_mem>>) src(%dma_wait3A_282 : memref<10000xi32, #tpu.memory_space<hbm>>) dst(%arg7 : memref<10000xi32, #tpu.memory_space<vmem>>)
          tpu.yield
        }) : () -> ()
        "tpu.region"() ({
          %run_scoped3A = tpu.sem_alloc : memref<!tpu.dma_semaphore, #tpu.memory_space<semaphore_mem>>
          %dma_start3A_279 = tpu.memref_slice %arg5[%add3A_278] : memref<320000xi32, #tpu.memory_space<hbm>> -> memref<10000xi32, #tpu.memory_space<hbm>>
          %dma_start3A_280 = tpu.memref_slice %arg5[%add3A_278] : memref<320000xi32, #tpu.memory_space<hbm>> -> memref<10000xi32, #tpu.memory_space<hbm>>
          tpu.enqueue_dma source(%dma_start3A_280 : memref<10000xi32, #tpu.memory_space<hbm>>) target(%arg8 : memref<10000xi32, #tpu.memory_space<vmem>>) target_semaphore(%run_scoped3A : memref<!tpu.dma_semaphore, #tpu.memory_space<semaphore_mem>>)
          %dma_wait3A_281 = tpu.memref_slice %arg5[%add3A_278] : memref<320000xi32, #tpu.memory_space<hbm>> -> memref<10000xi32, #tpu.memory_space<hbm>>
          %dma_wait3A_282 = tpu.memref_slice %arg5[%add3A_278] : memref<320000xi32, #tpu.memory_space<hbm>> -> memref<10000xi32, #tpu.memory_space<hbm>>
          tpu.wait_dma2 semaphore(%run_scoped3A : memref<!tpu.dma_semaphore, #tpu.memory_space<semaphore_mem>>) src(%dma_wait3A_282 : memref<10000xi32, #tpu.memory_space<hbm>>) dst(%arg8 : memref<10000xi32, #tpu.memory_space<vmem>>)
          tpu.yield
        }) : () -> ()
      } else {
      }
      %add3A_201 = arith.constant 1 : i32
      %add3A_202 = arith.addi %add3A_186, %add3A_201 : i32
      %lt3A_203 = arith.constant 250 : i32
      %lt3A_204 = arith.cmpi slt, %add3A_202, %lt3A_203 : i32
      %convert_element_type3A_205 = arith.extui %lt3A_204 : i1 to i32
      %cond3A_206 = arith.constant 0 : i32
      %cond3A_207 = arith.cmpi ne, %convert_element_type3A_205, %cond3A_206 : i32
      scf.if %cond3A_207 {
        %add3A_255 = arith.constant 1 : i32
        %add3A_256 = arith.addi %add3A_186, %add3A_255 : i32
        %rem3A_257 = arith.constant 125 : i32
        %rem3A_258 = arith.remsi %add3A_256, %rem3A_257 : i32
        %mul3A_259 = arith.constant 80 : i32
        %mul3A_260 = arith.muli %rem3A_258, %mul3A_259 : i32
        %add3A_261 = arith.constant 0 : i32
        %add3A_262 = arith.addi %mul3A_260, %add3A_261 : i32
        %get3A_263 = arith.index_cast %add3A_262 : i32 to index
        %get3A_264 = tpu.vector_load %arg7[%get3A_263] {strides = array<i32>} : memref<10000xi32, #tpu.memory_space<vmem>>, vector<16xi32>,
        %add3A_265 = vector.broadcast %mul3A_13 : i32 to vector<16xi32>
        %add3A_266 = arith.addi %get3A_264, %add3A_265 : vector<16xi32>
        %swap3A_267 = arith.constant 0 : index
        %swap3A_268 = tpu.vector_load %arg9[%swap3A_267] {strides = array<i32>} : memref<80xi32, #tpu.memory_space<vmem>>, vector<16xi32>,
        tpu.vector_store %arg9[%swap3A_267], %add3A_266 {strides = array<i32>} : memref<80xi32, #tpu.memory_space<vmem>>, vector<16xi32>,
        %add3A_269 = arith.constant 0 : i32
        %add3A_270 = arith.addi %mul3A_260, %add3A_269 : i32
        %get3A_271 = arith.index_cast %add3A_270 : i32 to index
        %get3A_272 = tpu.vector_load %arg8[%get3A_271] {strides = array<i32>} : memref<10000xi32, #tpu.memory_space<vmem>>, vector<16xi32>,
        %add3A_273 = vector.broadcast %mul3A_13 : i32 to vector<16xi32>
        %add3A_274 = arith.addi %get3A_272, %add3A_273 : vector<16xi32>
        %swap3A_275 = arith.constant 0 : index
        %swap3A_276 = tpu.vector_load %arg11[%swap3A_275] {strides = array<i32>} : memref<80xi32, #tpu.memory_space<vmem>>, vector<16xi32>,
        tpu.vector_store %arg11[%swap3A_275], %add3A_274 {strides = array<i32>} : memref<80xi32, #tpu.memory_space<vmem>>, vector<16xi32>,
        %add3A_277 = arith.constant 16 : i32
        %add3A_278 = arith.addi %mul3A_260, %add3A_277 : i32
        %get3A_279 = arith.index_cast %add3A_278 : i32 to index
        %get3A_280 = tpu.vector_load %arg7[%get3A_279] {strides = array<i32>} : memref<10000xi32, #tpu.memory_space<vmem>>, vector<16xi32>,
        %add3A_281 = vector.broadcast %mul3A_13 : i32 to vector<16xi32>
        %add3A_282 = arith.addi %get3A_280, %add3A_281 : vector<16xi32>
        %swap3A_283 = arith.constant 16 : index
        %swap3A_284 = tpu.vector_load %arg9[%swap3A_283] {strides = array<i32>} : memref<80xi32, #tpu.memory_space<vmem>>, vector<16xi32>,
        tpu.vector_store %arg9[%swap3A_283], %add3A_282 {strides = array<i32>} : memref<80xi32, #tpu.memory_space<vmem>>, vector<16xi32>,
        %add3A_285 = arith.constant 16 : i32
        %add3A_286 = arith.addi %mul3A_260, %add3A_285 : i32
        %get3A_287 = arith.index_cast %add3A_286 : i32 to index
        %get3A_288 = tpu.vector_load %arg8[%get3A_287] {strides = array<i32>} : memref<10000xi32, #tpu.memory_space<vmem>>, vector<16xi32>,
        %add3A_289 = vector.broadcast %mul3A_13 : i32 to vector<16xi32>
        %add3A_290 = arith.addi %get3A_288, %add3A_289 : vector<16xi32>
        %swap3A_291 = arith.constant 16 : index
        %swap3A_292 = tpu.vector_load %arg11[%swap3A_291] {strides = array<i32>} : memref<80xi32, #tpu.memory_space<vmem>>, vector<16xi32>,
        tpu.vector_store %arg11[%swap3A_291], %add3A_290 {strides = array<i32>} : memref<80xi32, #tpu.memory_space<vmem>>, vector<16xi32>,
        %add3A_293 = arith.constant 32 : i32
        %add3A_294 = arith.addi %mul3A_260, %add3A_293 : i32
        %get3A_295 = arith.index_cast %add3A_294 : i32 to index
        %get3A_296 = tpu.vector_load %arg7[%get3A_295] {strides = array<i32>} : memref<10000xi32, #tpu.memory_space<vmem>>, vector<16xi32>,
        %add3A_297 = vector.broadcast %mul3A_13 : i32 to vector<16xi32>
        %add3A_298 = arith.addi %get3A_296, %add3A_297 : vector<16xi32>
        %swap3A_299 = arith.constant 32 : index
        %swap3A_300 = tpu.vector_load %arg9[%swap3A_299] {strides = array<i32>} : memref<80xi32, #tpu.memory_space<vmem>>, vector<16xi32>,
        tpu.vector_store %arg9[%swap3A_299], %add3A_298 {strides = array<i32>} : memref<80xi32, #tpu.memory_space<vmem>>, vector<16xi32>,
        %add3A_301 = arith.constant 32 : i32
        %add3A_302 = arith.addi %mul3A_260, %add3A_301 : i32
        %get3A_303 = arith.index_cast %add3A_302 : i32 to index
        %get3A_304 = tpu.vector_load %arg8[%get3A_303] {strides = array<i32>} : memref<10000xi32, #tpu.memory_space<vmem>>, vector<16xi32>,
        %add3A_305 = vector.broadcast %mul3A_13 : i32 to vector<16xi32>
        %add3A_306 = arith.addi %get3A_304, %add3A_305 : vector<16xi32>
        %swap3A_307 = arith.constant 32 : index
        %swap3A_308 = tpu.vector_load %arg11[%swap3A_307] {strides = array<i32>} : memref<80xi32, #tpu.memory_space<vmem>>, vector<16xi32>,
        tpu.vector_store %arg11[%swap3A_307], %add3A_306 {strides = array<i32>} : memref<80xi32, #tpu.memory_space<vmem>>, vector<16xi32>,
        %add3A_309 = arith.constant 48 : i32
        %add3A_310 = arith.addi %mul3A_260, %add3A_309 : i32
        %get3A_311 = arith.index_cast %add3A_310 : i32 to index
        %get3A_312 = tpu.vector_load %arg7[%get3A_311] {strides = array<i32>} : memref<10000xi32, #tpu.memory_space<vmem>>, vector<16xi32>,
        %add3A_313 = vector.broadcast %mul3A_13 : i32 to vector<16xi32>
        %add3A_314 = arith.addi %get3A_312, %add3A_313 : vector<16xi32>
        %swap3A_315 = arith.constant 48 : index
        %swap3A_316 = tpu.vector_load %arg9[%swap3A_315] {strides = array<i32>} : memref<80xi32, #tpu.memory_space<vmem>>, vector<16xi32>,
        tpu.vector_store %arg9[%swap3A_315], %add3A_314 {strides = array<i32>} : memref<80xi32, #tpu.memory_space<vmem>>, vector<16xi32>,
        %add3A_317 = arith.constant 48 : i32
        %add3A_318 = arith.addi %mul3A_260, %add3A_317 : i32
        %get3A_319 = arith.index_cast %add3A_318 : i32 to index
        %get3A_320 = tpu.vector_load %arg8[%get3A_319] {strides = array<i32>} : memref<10000xi32, #tpu.memory_space<vmem>>, vector<16xi32>,
        %add3A_321 = vector.broadcast %mul3A_13 : i32 to vector<16xi32>
        %add3A_322 = arith.addi %get3A_320, %add3A_321 : vector<16xi32>
        %swap3A_323 = arith.constant 48 : index
        %swap3A_324 = tpu.vector_load %arg11[%swap3A_323] {strides = array<i32>} : memref<80xi32, #tpu.memory_space<vmem>>, vector<16xi32>,
        tpu.vector_store %arg11[%swap3A_323], %add3A_322 {strides = array<i32>} : memref<80xi32, #tpu.memory_space<vmem>>, vector<16xi32>,
        %add3A_325 = arith.constant 64 : i32
        %add3A_326 = arith.addi %mul3A_260, %add3A_325 : i32
        %get3A_327 = arith.index_cast %add3A_326 : i32 to index
        %get3A_328 = tpu.vector_load %arg7[%get3A_327] {strides = array<i32>} : memref<10000xi32, #tpu.memory_space<vmem>>, vector<16xi32>,
        %add3A_329 = vector.broadcast %mul3A_13 : i32 to vector<16xi32>
        %add3A_330 = arith.addi %get3A_328, %add3A_329 : vector<16xi32>
        %swap3A_331 = arith.constant 64 : index
        %swap3A_332 = tpu.vector_load %arg9[%swap3A_331] {strides = array<i32>} : memref<80xi32, #tpu.memory_space<vmem>>, vector<16xi32>,
        tpu.vector_store %arg9[%swap3A_331], %add3A_330 {strides = array<i32>} : memref<80xi32, #tpu.memory_space<vmem>>, vector<16xi32>,
        %add3A_333 = arith.constant 64 : i32
        %add3A_334 = arith.addi %mul3A_260, %add3A_333 : i32
        %get3A_335 = arith.index_cast %add3A_334 : i32 to index
        %get3A_336 = tpu.vector_load %arg8[%get3A_335] {strides = array<i32>} : memref<10000xi32, #tpu.memory_space<vmem>>, vector<16xi32>,
        %add3A_337 = vector.broadcast %mul3A_13 : i32 to vector<16xi32>
        %add3A_338 = arith.addi %get3A_336, %add3A_337 : vector<16xi32>
        %swap3A_339 = arith.constant 64 : index
        %swap3A_340 = tpu.vector_load %arg11[%swap3A_339] {strides = array<i32>} : memref<80xi32, #tpu.memory_space<vmem>>, vector<16xi32>,
        tpu.vector_store %arg11[%swap3A_339], %add3A_338 {strides = array<i32>} : memref<80xi32, #tpu.memory_space<vmem>>, vector<16xi32>,
        %dma_start3A_341 = arith.constant 0 : i32
        %dma_start3A_342 = arith.constant 0 : i32
        %dma_start3A_343 = tpu.memref_slice %arg2[%dma_start3A_341, %dma_start3A_342] : memref<20000x64xbf16, #tpu.memory_space<hbm>> -> memref<20000x64xbf16, #tpu.memory_space<hbm>>
        tpu.enqueue_indirect_dma source(%dma_start3A_343 : memref<20000x64xbf16, #tpu.memory_space<hbm>>) target(%arg15 : memref<80x64xbf16, #tpu.memory_space<vmem>>) offsets(%arg9 : memref<80xi32, #tpu.memory_space<vmem>>) semaphore(%arg22 : memref<!tpu.dma_semaphore, #tpu.memory_space<semaphore_mem>>)
        %dma_start3A_344 = arith.constant 0 : i32
        %dma_start3A_345 = arith.constant 0 : i32
        %dma_start3A_346 = tpu.memref_slice %arg3[%dma_start3A_344, %dma_start3A_345] : memref<20000x128xbf16, #tpu.memory_space<hbm>> -> memref<20000x128xbf16, #tpu.memory_space<hbm>>
        tpu.enqueue_indirect_dma source(%dma_start3A_346 : memref<20000x128xbf16, #tpu.memory_space<hbm>>) target(%arg17 : memref<80x128xbf16, #tpu.memory_space<vmem>>) offsets(%arg11 : memref<80xi32, #tpu.memory_space<vmem>>) semaphore(%arg24 : memref<!tpu.dma_semaphore, #tpu.memory_space<semaphore_mem>>)
      } else {
      }
      %dma_wait3A_208 = arith.constant 0 : i32
      %dma_wait3A_209 = arith.constant 0 : i32
      %dma_wait3A_210 = tpu.memref_slice %arg2[%dma_wait3A_208, %dma_wait3A_209] : memref<20000x64xbf16, #tpu.memory_space<hbm>> -> memref<20000x64xbf16, #tpu.memory_space<hbm>>
      tpu.wait_indirect_dma semaphore(%arg23 : memref<!tpu.dma_semaphore, #tpu.memory_space<semaphore_mem>>) src(%dma_wait3A_210 : memref<20000x64xbf16, #tpu.memory_space<hbm>>) dst(%arg16 : memref<80x64xbf16, #tpu.memory_space<vmem>>)
      %dma_wait3A_211 = arith.constant 0 : i32
      %dma_wait3A_212 = arith.constant 0 : i32
      %dma_wait3A_213 = tpu.memref_slice %arg3[%dma_wait3A_211, %dma_wait3A_212] : memref<20000x128xbf16, #tpu.memory_space<hbm>> -> memref<20000x128xbf16, #tpu.memory_space<hbm>>
      tpu.wait_indirect_dma semaphore(%arg25 : memref<!tpu.dma_semaphore, #tpu.memory_space<semaphore_mem>>) src(%dma_wait3A_213 : memref<20000x128xbf16, #tpu.memory_space<hbm>>) dst(%arg18 : memref<80x128xbf16, #tpu.memory_space<vmem>>)
      %ge3A_214 = arith.constant 2 : i32
      %ge3A_215 = arith.cmpi sge, %add3A_186, %ge3A_214 : i32
      %convert_element_type3A_216 = arith.extui %ge3A_215 : i1 to i32
      %cond3A_217 = arith.constant 0 : i32
      %cond3A_218 = arith.cmpi ne, %convert_element_type3A_216, %cond3A_217 : i32
      scf.if %cond3A_218 {
        %dma_wait3A_255 = arith.constant 0 : i32
        %dma_wait3A_256 = arith.constant 0 : i32
        %dma_wait3A_257 = tpu.memref_slice %arg21[%dma_wait3A_255, %dma_wait3A_256] : memref<10240x80xf32, #tpu.memory_space<vmem_shared>> -> memref<10240x80xf32, #tpu.memory_space<vmem_shared>>
        tpu.wait_indirect_dma semaphore(%arg27 : memref<!tpu.dma_semaphore, #tpu.memory_space<semaphore_mem>>) src(%arg20 : memref<80x80xf32, #tpu.memory_space<vmem>>) dst(%dma_wait3A_257 : memref<10240x80xf32, #tpu.memory_space<vmem_shared>>)
      } else {
      }
      %parallel_loop3A_219 = arith.constant 0 : i32
      %parallel_loop3A_220 = arith.constant 80 : i32
      %parallel_loop3A_221 = arith.constant 1 : i32
      scf.for %parallel_loop3A_255 = %parallel_loop3A_219 to %parallel_loop3A_220 step %parallel_loop3A_221  : i32 {
        %parallel_loop3A_256 = tpu.iota {dimensions = array<i32: 0>} : vector<16xi32>
        %parallel_loop3A_257 = arith.index_cast %parallel_loop3A_255 : i32 to index
        %parallel_loop3A_258 = arith.constant 0 : index
        %parallel_loop3A_259 = tpu.vector_load %arg16[%parallel_loop3A_257, %parallel_loop3A_258] {strides = array<i32>} : memref<80x64xbf16, #tpu.memory_space<vmem>>, vector<32xbf16>,
        %parallel_loop3A_260 = tpu.unpack_subelements %parallel_loop3A_259, 0 {pack_format = #tpu.pack_format<interleaved>} : vector<32xbf16> -> vector<16xf32>
        %parallel_loop3A_261 = tpu.unpack_subelements %parallel_loop3A_259, 1 {pack_format = #tpu.pack_format<interleaved>} : vector<32xbf16> -> vector<16xf32>
        %parallel_loop3A_262 = arith.index_cast %parallel_loop3A_255 : i32 to index
        %parallel_loop3A_263 = arith.constant 32 : index
        %parallel_loop3A_264 = tpu.vector_load %arg16[%parallel_loop3A_262, %parallel_loop3A_263] {strides = array<i32>} : memref<80x64xbf16, #tpu.memory_space<vmem>>, vector<32xbf16>,
        %parallel_loop3A_265 = tpu.unpack_subelements %parallel_loop3A_264, 0 {pack_format = #tpu.pack_format<interleaved>} : vector<32xbf16> -> vector<16xf32>
        %parallel_loop3A_266 = tpu.unpack_subelements %parallel_loop3A_264, 1 {pack_format = #tpu.pack_format<interleaved>} : vector<32xbf16> -> vector<16xf32>
        %parallel_loop3A_267 = arith.index_cast %parallel_loop3A_255 : i32 to index
        %parallel_loop3A_268 = arith.constant 0 : index
        %parallel_loop3A_269 = tpu.vector_load %arg18[%parallel_loop3A_267, %parallel_loop3A_268] {strides = array<i32>} : memref<80x128xbf16, #tpu.memory_space<vmem>>, vector<32xbf16>,
        %parallel_loop3A_270 = tpu.unpack_subelements %parallel_loop3A_269, 0 {pack_format = #tpu.pack_format<interleaved>} : vector<32xbf16> -> vector<16xf32>
        %parallel_loop3A_271 = tpu.unpack_subelements %parallel_loop3A_269, 1 {pack_format = #tpu.pack_format<interleaved>} : vector<32xbf16> -> vector<16xf32>
        %parallel_loop3A_272 = arith.index_cast %parallel_loop3A_255 : i32 to index
        %parallel_loop3A_273 = arith.constant 32 : index
        %parallel_loop3A_274 = tpu.vector_load %arg18[%parallel_loop3A_272, %parallel_loop3A_273] {strides = array<i32>} : memref<80x128xbf16, #tpu.memory_space<vmem>>, vector<32xbf16>,
        %parallel_loop3A_275 = tpu.unpack_subelements %parallel_loop3A_274, 0 {pack_format = #tpu.pack_format<interleaved>} : vector<32xbf16> -> vector<16xf32>
        %parallel_loop3A_276 = tpu.unpack_subelements %parallel_loop3A_274, 1 {pack_format = #tpu.pack_format<interleaved>} : vector<32xbf16> -> vector<16xf32>
        %parallel_loop3A_277 = arith.mulf %parallel_loop3A_260, %parallel_loop3A_270 : vector<16xf32>
        %parallel_loop3A_278 = arith.mulf %parallel_loop3A_261, %parallel_loop3A_271 : vector<16xf32>
        %parallel_loop3A_279 = arith.addf %parallel_loop3A_277, %parallel_loop3A_278 : vector<16xf32>
        %parallel_loop3A_280 = arith.mulf %parallel_loop3A_265, %parallel_loop3A_275 : vector<16xf32>
        %parallel_loop3A_281 = arith.addf %parallel_loop3A_279, %parallel_loop3A_280 : vector<16xf32>
        %parallel_loop3A_282 = arith.mulf %parallel_loop3A_266, %parallel_loop3A_276 : vector<16xf32>
        %parallel_loop3A_283 = arith.addf %parallel_loop3A_281, %parallel_loop3A_282 : vector<16xf32>
        %parallel_loop3A_284 = arith.constant 7 : i32
        %parallel_loop3A_285 = vector.broadcast %parallel_loop3A_284 : i32 to vector<16xi32>
        %parallel_loop3A_286 = arith.andi %parallel_loop3A_256, %parallel_loop3A_285 : vector<16xi32>
        %parallel_loop3A_287 = arith.constant 8 : i32
        %parallel_loop3A_288 = vector.broadcast %parallel_loop3A_287 : i32 to vector<16xi32>
        %parallel_loop3A_289 = arith.addi %parallel_loop3A_288, %parallel_loop3A_286 : vector<16xi32>
        %parallel_loop3A_290 = vector.shape_cast %parallel_loop3A_289 : vector<16xi32> to vector<16x1xi32>
        %parallel_loop3A_291 = vector.shape_cast %parallel_loop3A_290 : vector<16x1xi32> to vector<16xi32>
        %parallel_loop3A_292 = tpu.dynamic_gather %parallel_loop3A_283[%parallel_loop3A_291] in [0] : vector<16xf32>, vector<16xi32> -> vector<16xf32>
        %parallel_loop3A_293 = arith.addf %parallel_loop3A_283, %parallel_loop3A_292 : vector<16xf32>
        %parallel_loop3A_294 = arith.constant 3 : i32
        %parallel_loop3A_295 = vector.broadcast %parallel_loop3A_294 : i32 to vector<16xi32>
        %parallel_loop3A_296 = arith.andi %parallel_loop3A_256, %parallel_loop3A_295 : vector<16xi32>
        %parallel_loop3A_297 = arith.constant 4 : i32
        %parallel_loop3A_298 = vector.broadcast %parallel_loop3A_297 : i32 to vector<16xi32>
        %parallel_loop3A_299 = arith.addi %parallel_loop3A_298, %parallel_loop3A_296 : vector<16xi32>
        %parallel_loop3A_300 = vector.shape_cast %parallel_loop3A_299 : vector<16xi32> to vector<16x1xi32>
        %parallel_loop3A_301 = vector.shape_cast %parallel_loop3A_300 : vector<16x1xi32> to vector<16xi32>
        %parallel_loop3A_302 = tpu.dynamic_gather %parallel_loop3A_293[%parallel_loop3A_301] in [0] : vector<16xf32>, vector<16xi32> -> vector<16xf32>
        %parallel_loop3A_303 = arith.addf %parallel_loop3A_293, %parallel_loop3A_302 : vector<16xf32>
        %parallel_loop3A_304 = arith.constant 2.500000e-01 : f32
        %parallel_loop3A_305 = vector.broadcast %parallel_loop3A_304 : f32 to vector<16xf32>
        %parallel_loop3A_306 = arith.mulf %parallel_loop3A_303, %parallel_loop3A_305 : vector<16xf32>
        %parallel_loop3A_307 = math.exp %parallel_loop3A_306 : vector<16xf32>
        %parallel_loop3A_308 = arith.constant 3 : i32
        %parallel_loop3A_309 = vector.broadcast %parallel_loop3A_308 : i32 to vector<16xi32>
        %parallel_loop3A_310 = arith.andi %parallel_loop3A_256, %parallel_loop3A_309 : vector<16xi32>
        %parallel_loop3A_311 = vector.shape_cast %parallel_loop3A_310 : vector<16xi32> to vector<16x1xi32>
        %parallel_loop3A_312 = vector.shape_cast %parallel_loop3A_311 : vector<16x1xi32> to vector<16xi32>
        %parallel_loop3A_313 = tpu.dynamic_gather %parallel_loop3A_307[%parallel_loop3A_312] in [0] : vector<16xf32>, vector<16xi32> -> vector<16xf32>
        %parallel_loop3A_314 = arith.index_cast %parallel_loop3A_255 : i32 to index
        %parallel_loop3A_315 = arith.constant 64 : index
        %parallel_loop3A_316 = tpu.vector_load %arg18[%parallel_loop3A_314, %parallel_loop3A_315] {strides = array<i32>} : memref<80x128xbf16, #tpu.memory_space<vmem>>, vector<32xbf16>,
        %parallel_loop3A_317 = tpu.unpack_subelements %parallel_loop3A_316, 0 {pack_format = #tpu.pack_format<interleaved>} : vector<32xbf16> -> vector<16xf32>
        %parallel_loop3A_318 = tpu.unpack_subelements %parallel_loop3A_316, 1 {pack_format = #tpu.pack_format<interleaved>} : vector<32xbf16> -> vector<16xf32>
        %parallel_loop3A_319 = arith.index_cast %parallel_loop3A_255 : i32 to index
        %parallel_loop3A_320 = arith.constant 96 : index
        %parallel_loop3A_321 = tpu.vector_load %arg18[%parallel_loop3A_319, %parallel_loop3A_320] {strides = array<i32>} : memref<80x128xbf16, #tpu.memory_space<vmem>>, vector<32xbf16>,
        %parallel_loop3A_322 = tpu.unpack_subelements %parallel_loop3A_321, 0 {pack_format = #tpu.pack_format<interleaved>} : vector<32xbf16> -> vector<16xf32>
        %parallel_loop3A_323 = tpu.unpack_subelements %parallel_loop3A_321, 1 {pack_format = #tpu.pack_format<interleaved>} : vector<32xbf16> -> vector<16xf32>
        %parallel_loop3A_324 = arith.mulf %parallel_loop3A_317, %parallel_loop3A_313 : vector<16xf32>
        %parallel_loop3A_325 = arith.index_cast %parallel_loop3A_255 : i32 to index
        %parallel_loop3A_326 = arith.constant 0 : index
        %parallel_loop3A_327 = tpu.vector_load %arg20[%parallel_loop3A_325, %parallel_loop3A_326] {strides = array<i32>} : memref<80x80xf32, #tpu.memory_space<vmem>>, vector<16xf32>,
        tpu.vector_store %arg20[%parallel_loop3A_325, %parallel_loop3A_326], %parallel_loop3A_324 {strides = array<i32>} : memref<80x80xf32, #tpu.memory_space<vmem>>, vector<16xf32>,
        %parallel_loop3A_328 = arith.mulf %parallel_loop3A_318, %parallel_loop3A_313 : vector<16xf32>
        %parallel_loop3A_329 = arith.index_cast %parallel_loop3A_255 : i32 to index
        %parallel_loop3A_330 = arith.constant 16 : index
        %parallel_loop3A_331 = tpu.vector_load %arg20[%parallel_loop3A_329, %parallel_loop3A_330] {strides = array<i32>} : memref<80x80xf32, #tpu.memory_space<vmem>>, vector<16xf32>,
        tpu.vector_store %arg20[%parallel_loop3A_329, %parallel_loop3A_330], %parallel_loop3A_328 {strides = array<i32>} : memref<80x80xf32, #tpu.memory_space<vmem>>, vector<16xf32>,
        %parallel_loop3A_332 = arith.mulf %parallel_loop3A_322, %parallel_loop3A_313 : vector<16xf32>
        %parallel_loop3A_333 = arith.index_cast %parallel_loop3A_255 : i32 to index
        %parallel_loop3A_334 = arith.constant 32 : index
        %parallel_loop3A_335 = tpu.vector_load %arg20[%parallel_loop3A_333, %parallel_loop3A_334] {strides = array<i32>} : memref<80x80xf32, #tpu.memory_space<vmem>>, vector<16xf32>,
        tpu.vector_store %arg20[%parallel_loop3A_333, %parallel_loop3A_334], %parallel_loop3A_332 {strides = array<i32>} : memref<80x80xf32, #tpu.memory_space<vmem>>, vector<16xf32>,
        %parallel_loop3A_336 = arith.mulf %parallel_loop3A_323, %parallel_loop3A_313 : vector<16xf32>
        %parallel_loop3A_337 = arith.index_cast %parallel_loop3A_255 : i32 to index
        %parallel_loop3A_338 = arith.constant 48 : index
        %parallel_loop3A_339 = tpu.vector_load %arg20[%parallel_loop3A_337, %parallel_loop3A_338] {strides = array<i32>} : memref<80x80xf32, #tpu.memory_space<vmem>>, vector<16xf32>,
        tpu.vector_store %arg20[%parallel_loop3A_337, %parallel_loop3A_338], %parallel_loop3A_336 {strides = array<i32>} : memref<80x80xf32, #tpu.memory_space<vmem>>, vector<16xf32>,
        %parallel_loop3A_340 = arith.index_cast %parallel_loop3A_255 : i32 to index
        %parallel_loop3A_341 = arith.constant 64 : index
        %parallel_loop3A_342 = tpu.vector_load %arg20[%parallel_loop3A_340, %parallel_loop3A_341] {strides = array<i32>} : memref<80x80xf32, #tpu.memory_space<vmem>>, vector<16xf32>,
        tpu.vector_store %arg20[%parallel_loop3A_340, %parallel_loop3A_341], %parallel_loop3A_307 {strides = array<i32>} : memref<80x80xf32, #tpu.memory_space<vmem>>, vector<16xf32>,
      } {sc.loop_unroll_factor = 4 : i64, sc.parallel_access}
      %get3A_222 = arith.constant 0 : index
      %get3A_223 = tpu.vector_load %arg10[%get3A_222] {strides = array<i32>} : memref<80xi32, #tpu.memory_space<vmem>>, vector<16xi32>,
      %sub3A_224 = vector.broadcast %mul3A_13 : i32 to vector<16xi32>
      %sub3A_225 = arith.subi %get3A_223, %sub3A_224 : vector<16xi32>
      %swap3A_226 = arith.constant 0 : index
      %swap3A_227 = tpu.vector_load %arg14[%swap3A_226] {strides = array<i32>} : memref<80xi32, #tpu.memory_space<vmem>>, vector<16xi32>,
      tpu.vector_store %arg14[%swap3A_226], %sub3A_225 {strides = array<i32>} : memref<80xi32, #tpu.memory_space<vmem>>, vector<16xi32>,
      %get3A_228 = arith.constant 16 : index
      %get3A_229 = tpu.vector_load %arg10[%get3A_228] {strides = array<i32>} : memref<80xi32, #tpu.memory_space<vmem>>, vector<16xi32>,
      %sub3A_230 = vector.broadcast %mul3A_13 : i32 to vector<16xi32>
      %sub3A_231 = arith.subi %get3A_229, %sub3A_230 : vector<16xi32>
      %swap3A_232 = arith.constant 16 : index
      %swap3A_233 = tpu.vector_load %arg14[%swap3A_232] {strides = array<i32>} : memref<80xi32, #tpu.memory_space<vmem>>, vector<16xi32>,
      tpu.vector_store %arg14[%swap3A_232], %sub3A_231 {strides = array<i32>} : memref<80xi32, #tpu.memory_space<vmem>>, vector<16xi32>,
      %get3A_234 = arith.constant 32 : index
      %get3A_235 = tpu.vector_load %arg10[%get3A_234] {strides = array<i32>} : memref<80xi32, #tpu.memory_space<vmem>>, vector<16xi32>,
      %sub3A_236 = vector.broadcast %mul3A_13 : i32 to vector<16xi32>
      %sub3A_237 = arith.subi %get3A_235, %sub3A_236 : vector<16xi32>
      %swap3A_238 = arith.constant 32 : index
      %swap3A_239 = tpu.vector_load %arg14[%swap3A_238] {strides = array<i32>} : memref<80xi32, #tpu.memory_space<vmem>>, vector<16xi32>,
      tpu.vector_store %arg14[%swap3A_238], %sub3A_237 {strides = array<i32>} : memref<80xi32, #tpu.memory_space<vmem>>, vector<16xi32>,
      %get3A_240 = arith.constant 48 : index
      %get3A_241 = tpu.vector_load %arg10[%get3A_240] {strides = array<i32>} : memref<80xi32, #tpu.memory_space<vmem>>, vector<16xi32>,
      %sub3A_242 = vector.broadcast %mul3A_13 : i32 to vector<16xi32>
      %sub3A_243 = arith.subi %get3A_241, %sub3A_242 : vector<16xi32>
      %swap3A_244 = arith.constant 48 : index
      %swap3A_245 = tpu.vector_load %arg14[%swap3A_244] {strides = array<i32>} : memref<80xi32, #tpu.memory_space<vmem>>, vector<16xi32>,
      tpu.vector_store %arg14[%swap3A_244], %sub3A_243 {strides = array<i32>} : memref<80xi32, #tpu.memory_space<vmem>>, vector<16xi32>,
      %get3A_246 = arith.constant 64 : index
      %get3A_247 = tpu.vector_load %arg10[%get3A_246] {strides = array<i32>} : memref<80xi32, #tpu.memory_space<vmem>>, vector<16xi32>,
      %sub3A_248 = vector.broadcast %mul3A_13 : i32 to vector<16xi32>
      %sub3A_249 = arith.subi %get3A_247, %sub3A_248 : vector<16xi32>
      %swap3A_250 = arith.constant 64 : index
      %swap3A_251 = tpu.vector_load %arg14[%swap3A_250] {strides = array<i32>} : memref<80xi32, #tpu.memory_space<vmem>>, vector<16xi32>,
      tpu.vector_store %arg14[%swap3A_250], %sub3A_249 {strides = array<i32>} : memref<80xi32, #tpu.memory_space<vmem>>, vector<16xi32>,
      %dma_start3A_252 = arith.constant 0 : i32
      %dma_start3A_253 = arith.constant 0 : i32
      %dma_start3A_254 = tpu.memref_slice %arg21[%dma_start3A_252, %dma_start3A_253] : memref<10240x80xf32, #tpu.memory_space<vmem_shared>> -> memref<10240x80xf32, #tpu.memory_space<vmem_shared>>
      tpu.enqueue_indirect_dma source(%arg20 : memref<80x80xf32, #tpu.memory_space<vmem>>) target(%dma_start3A_254 : memref<10240x80xf32, #tpu.memory_space<vmem_shared>>) offsets(%arg14 : memref<80xi32, #tpu.memory_space<vmem>>) semaphore(%arg27 : memref<!tpu.dma_semaphore, #tpu.memory_space<semaphore_mem>>) {add = true}
    }
    %scan3A_107 = arith.constant 125 : i32
    %dma_wait3A = arith.constant 0 : i32
    %dma_wait3A_108 = arith.constant 0 : i32
    %dma_wait3A_109 = tpu.memref_slice %arg21[%dma_wait3A, %dma_wait3A_108] : memref<10240x80xf32, #tpu.memory_space<vmem_shared>> -> memref<10240x80xf32, #tpu.memory_space<vmem_shared>>
    tpu.wait_indirect_dma semaphore(%arg26 : memref<!tpu.dma_semaphore, #tpu.memory_space<semaphore_mem>>) src(%arg19 : memref<80x80xf32, #tpu.memory_space<vmem>>) dst(%dma_wait3A_109 : memref<10240x80xf32, #tpu.memory_space<vmem_shared>>)
    %dma_wait3A_110 = arith.constant 0 : i32
    %dma_wait3A_111 = arith.constant 0 : i32
    %dma_wait3A_112 = tpu.memref_slice %arg21[%dma_wait3A_110, %dma_wait3A_111] : memref<10240x80xf32, #tpu.memory_space<vmem_shared>> -> memref<10240x80xf32, #tpu.memory_space<vmem_shared>>
    tpu.wait_indirect_dma semaphore(%arg27 : memref<!tpu.dma_semaphore, #tpu.memory_space<semaphore_mem>>) src(%arg20 : memref<80x80xf32, #tpu.memory_space<vmem>>) dst(%dma_wait3A_112 : memref<10240x80xf32, #tpu.memory_space<vmem_shared>>)
    %barrier3A_113 = arith.constant 0 : index
    tpu.barrier barrier_id(%barrier3A_113)
    %mul3A_114 = arith.constant 640 : i32
    %mul3A_115 = arith.muli %arg1, %mul3A_114 : i32
    %mul3A_116 = arith.constant 640 : i32
    %mul3A_117 = arith.muli %arg1, %mul3A_116 : i32
    "tpu.region"() ({
      %run_scoped3A = tpu.sem_alloc : memref<!tpu.dma_semaphore, #tpu.memory_space<semaphore_mem>>
      %dma_start3A_118 = arith.constant 0 : i32
      %dma_start3A_119 = tpu.memref_slice %arg6[%arg0, %mul3A_117, %dma_start3A_118] : memref<2x10240x80xf32, #tpu.memory_space<hbm>> -> memref<1x640x80xf32, #tpu.memory_space<hbm>>
      %dma_start3A_120 = tpu.memref_squeeze %dma_start3A_119 : memref<1x640x80xf32, #tpu.memory_space<hbm>> -> memref<640x80xf32, #tpu.memory_space<hbm>>
      %dma_start3A_121 = arith.constant 0 : i32
      %dma_start3A_122 = tpu.memref_slice %arg21[%mul3A_115, %dma_start3A_121] : memref<10240x80xf32, #tpu.memory_space<vmem_shared>> -> memref<640x80xf32, #tpu.memory_space<vmem_shared>>
      tpu.enqueue_dma source(%dma_start3A_122 : memref<640x80xf32, #tpu.memory_space<vmem_shared>>) target(%dma_start3A_120 : memref<640x80xf32, #tpu.memory_space<hbm>>) target_semaphore(%run_scoped3A : memref<!tpu.dma_semaphore, #tpu.memory_space<semaphore_mem>>)
      %dma_wait3A_123 = arith.constant 0 : i32
      %dma_wait3A_124 = tpu.memref_slice %arg6[%arg0, %mul3A_117, %dma_wait3A_123] : memref<2x10240x80xf32, #tpu.memory_space<hbm>> -> memref<1x640x80xf32, #tpu.memory_space<hbm>>
      %dma_wait3A_125 = tpu.memref_squeeze %dma_wait3A_124 : memref<1x640x80xf32, #tpu.memory_space<hbm>> -> memref<640x80xf32, #tpu.memory_space<hbm>>
      %dma_wait3A_126 = arith.constant 0 : i32
      %dma_wait3A_127 = tpu.memref_slice %arg21[%mul3A_115, %dma_wait3A_126] : memref<10240x80xf32, #tpu.memory_space<vmem_shared>> -> memref<640x80xf32, #tpu.memory_space<vmem_shared>>
      tpu.wait_dma2 semaphore(%run_scoped3A : memref<!tpu.dma_semaphore, #tpu.memory_space<semaphore_mem>>) src(%dma_wait3A_127 : memref<640x80xf32, #tpu.memory_space<vmem_shared>>) dst(%dma_wait3A_125 : memref<640x80xf32, #tpu.memory_space<hbm>>)
      tpu.yield
    }) : () -> ()
    return
  }
}

module attributes {stable_mosaic.version = 14 : i64} {
  func.func @_proj_body(%arg0: i32, %arg1: memref<2000x128xf32, #tpu.memory_space<vmem>>, %arg2: memref<128x128xf32, #tpu.memory_space<vmem>>, %arg3: memref<128x256xf32, #tpu.memory_space<vmem>>, %arg4: memref<1x128xf32, #tpu.memory_space<vmem>>, %arg5: memref<1x256xf32, #tpu.memory_space<vmem>>, %arg6: memref<2x2000x64xbf16, #tpu.memory_space<vmem>>, %arg7: memref<2x2000x128xbf16, #tpu.memory_space<vmem>>) attributes {dimension_semantics = [#tpu.dimension_semantics<arbitrary>], iteration_bounds = array<i64: 5>, scalar_prefetch = 0 : i64, scratch_operands = 0 : i64, tpu.core_type = #tpu.core_type<tc>, window_params = [{transform_indices = @transform_0, window_bounds = array<i64: 2000, 128>}, {pipeline_mode = #tpu.pipeline_mode<synchronous>, transform_indices = @transform_1, window_bounds = array<i64: 128, 128>}, {pipeline_mode = #tpu.pipeline_mode<synchronous>, transform_indices = @transform_2, window_bounds = array<i64: 128, 256>}, {pipeline_mode = #tpu.pipeline_mode<synchronous>, transform_indices = @transform_3, window_bounds = array<i64: 1, 128>}, {pipeline_mode = #tpu.pipeline_mode<synchronous>, transform_indices = @transform_4, window_bounds = array<i64: 1, 256>}, {transform_indices = @transform_5, window_bounds = array<i64: 2, 2000, 64>}, {transform_indices = @transform_6, window_bounds = array<i64: 2, 2000, 128>}]} {
    %get3A = arith.constant 0 : index
    %get3A_0 = arith.constant 0 : index
    %get3A_1 = vector.load %arg1[%get3A, %get3A_0] : memref<2000x128xf32, #tpu.memory_space<vmem>>, vector<2000x128xf32>
    %get3A_2 = arith.constant 0 : index
    %get3A_3 = arith.constant 0 : index
    %get3A_4 = vector.load %arg2[%get3A_2, %get3A_3] : memref<128x128xf32, #tpu.memory_space<vmem>>, vector<128x128xf32>
    %dot_general3A = arith.constant dense<0.000000e+00> : vector<2000x128xf32>
    %dot_general3A_5 = tpu.matmul %get3A_1, %get3A_4, %dot_general3A {dimension_numbers = #tpu.dot_dimension_numbers<[1], [0], [0], [1], [0, 0, 1, 1], [], []>, transpose_lhs_hint = false} : vector<2000x128xf32>, vector<128x128xf32>, vector<2000x128xf32> -> vector<2000x128xf32>
    %get3A_6 = arith.constant 0 : index
    %get3A_7 = arith.constant 0 : index
    %get3A_8 = vector.load %arg4[%get3A_6, %get3A_7] : memref<1x128xf32, #tpu.memory_space<vmem>>, vector<1x128xf32>
    %add3A = vector.broadcast %get3A_8 : vector<1x128xf32> to vector<2000x128xf32>
    %add3A_9 = arith.addf %dot_general3A_5, %add3A : vector<2000x128xf32>
    %slice3A = vector.extract_strided_slice %add3A_9 {offsets = [0, 0], sizes = [2000, 64], strides = [1, 1]} : vector<2000x128xf32> to vector<2000x64xf32>
    %convert_element_type3A = arith.truncf %slice3A : vector<2000x64xf32> to vector<2000x64xbf16>
    %swap3A = arith.constant 0 : index
    %swap3A_10 = arith.constant 0 : index
    %swap3A_11 = arith.constant 0 : index
    %swap3A_12 = vector.load %arg6[%swap3A, %swap3A_10, %swap3A_11] : memref<2x2000x64xbf16, #tpu.memory_space<vmem>>, vector<1x2000x64xbf16>
    %swap3A_13 = vector.shape_cast %swap3A_12 : vector<1x2000x64xbf16> to vector<2000x64xbf16>
    %swap3A_14 = vector.shape_cast %convert_element_type3A : vector<2000x64xbf16> to vector<1x2000x64xbf16>
    tpu.vector_store %arg6[%swap3A, %swap3A_10, %swap3A_11], %swap3A_14 {strides = array<i32>} : memref<2x2000x64xbf16, #tpu.memory_space<vmem>>, vector<1x2000x64xbf16>,
    %slice3A_15 = vector.extract_strided_slice %add3A_9 {offsets = [0, 64], sizes = [2000, 64], strides = [1, 1]} : vector<2000x128xf32> to vector<2000x64xf32>
    %convert_element_type3A_16 = arith.truncf %slice3A_15 : vector<2000x64xf32> to vector<2000x64xbf16>
    %swap3A_17 = arith.constant 1 : index
    %swap3A_18 = arith.constant 0 : index
    %swap3A_19 = arith.constant 0 : index
    %swap3A_20 = vector.load %arg6[%swap3A_17, %swap3A_18, %swap3A_19] : memref<2x2000x64xbf16, #tpu.memory_space<vmem>>, vector<1x2000x64xbf16>
    %swap3A_21 = vector.shape_cast %swap3A_20 : vector<1x2000x64xbf16> to vector<2000x64xbf16>
    %swap3A_22 = vector.shape_cast %convert_element_type3A_16 : vector<2000x64xbf16> to vector<1x2000x64xbf16>
    tpu.vector_store %arg6[%swap3A_17, %swap3A_18, %swap3A_19], %swap3A_22 {strides = array<i32>} : memref<2x2000x64xbf16, #tpu.memory_space<vmem>>, vector<1x2000x64xbf16>,
    %get3A_23 = arith.constant 0 : index
    %get3A_24 = arith.constant 0 : index
    %get3A_25 = vector.load %arg3[%get3A_23, %get3A_24] : memref<128x256xf32, #tpu.memory_space<vmem>>, vector<128x256xf32>
    %dot_general3A_26 = arith.constant dense<0.000000e+00> : vector<2000x256xf32>
    %dot_general3A_27 = tpu.matmul %get3A_1, %get3A_25, %dot_general3A_26 {dimension_numbers = #tpu.dot_dimension_numbers<[1], [0], [0], [1], [0, 0, 1, 1], [], []>, transpose_lhs_hint = false} : vector<2000x128xf32>, vector<128x256xf32>, vector<2000x256xf32> -> vector<2000x256xf32>
    %get3A_28 = arith.constant 0 : index
    %get3A_29 = arith.constant 0 : index
    %get3A_30 = vector.load %arg5[%get3A_28, %get3A_29] : memref<1x256xf32, #tpu.memory_space<vmem>>, vector<1x256xf32>
    %add3A_31 = vector.broadcast %get3A_30 : vector<1x256xf32> to vector<2000x256xf32>
    %add3A_32 = arith.addf %dot_general3A_27, %add3A_31 : vector<2000x256xf32>
    %slice3A_33 = vector.extract_strided_slice %add3A_32 {offsets = [0, 0], sizes = [2000, 128], strides = [1, 1]} : vector<2000x256xf32> to vector<2000x128xf32>
    %convert_element_type3A_34 = arith.truncf %slice3A_33 : vector<2000x128xf32> to vector<2000x128xbf16>
    %swap3A_35 = arith.constant 0 : index
    %swap3A_36 = arith.constant 0 : index
    %swap3A_37 = arith.constant 0 : index
    %swap3A_38 = vector.load %arg7[%swap3A_35, %swap3A_36, %swap3A_37] : memref<2x2000x128xbf16, #tpu.memory_space<vmem>>, vector<1x2000x128xbf16>
    %swap3A_39 = vector.shape_cast %swap3A_38 : vector<1x2000x128xbf16> to vector<2000x128xbf16>
    %swap3A_40 = vector.shape_cast %convert_element_type3A_34 : vector<2000x128xbf16> to vector<1x2000x128xbf16>
    tpu.vector_store %arg7[%swap3A_35, %swap3A_36, %swap3A_37], %swap3A_40 {strides = array<i32>} : memref<2x2000x128xbf16, #tpu.memory_space<vmem>>, vector<1x2000x128xbf16>,
    %slice3A_41 = vector.extract_strided_slice %add3A_32 {offsets = [0, 128], sizes = [2000, 128], strides = [1, 1]} : vector<2000x256xf32> to vector<2000x128xf32>
    %convert_element_type3A_42 = arith.truncf %slice3A_41 : vector<2000x128xf32> to vector<2000x128xbf16>
    %swap3A_43 = arith.constant 1 : index
    %swap3A_44 = arith.constant 0 : index
    %swap3A_45 = arith.constant 0 : index
    %swap3A_46 = vector.load %arg7[%swap3A_43, %swap3A_44, %swap3A_45] : memref<2x2000x128xbf16, #tpu.memory_space<vmem>>, vector<1x2000x128xbf16>
    %swap3A_47 = vector.shape_cast %swap3A_46 : vector<1x2000x128xbf16> to vector<2000x128xbf16>
    %swap3A_48 = vector.shape_cast %convert_element_type3A_42 : vector<2000x128xbf16> to vector<1x2000x128xbf16>
    tpu.vector_store %arg7[%swap3A_43, %swap3A_44, %swap3A_45], %swap3A_48 {strides = array<i32>} : memref<2x2000x128xbf16, #tpu.memory_space<vmem>>, vector<1x2000x128xbf16>,
    return
  }
  func.func @transform_0(%arg0: i32) -> (i32, i32) {
    %c0_i32 = arith.constant 0 : i32
    %c0_i32_0 = arith.constant 0 : i32
    return %arg0, %c0_i32 : i32, i32
  }
  func.func @transform_1(%arg0: i32) -> (i32, i32) {
    %c0_i32 = arith.constant 0 : i32
    %c0_i32_0 = arith.constant 0 : i32
    %c0_i32_1 = arith.constant 0 : i32
    return %c0_i32, %c0_i32_0 : i32, i32
  }
  func.func @transform_2(%arg0: i32) -> (i32, i32) {
    %c0_i32 = arith.constant 0 : i32
    %c0_i32_0 = arith.constant 0 : i32
    %c0_i32_1 = arith.constant 0 : i32
    return %c0_i32, %c0_i32_0 : i32, i32
  }
  func.func @transform_3(%arg0: i32) -> (i32, i32) {
    %c0_i32 = arith.constant 0 : i32
    %c0_i32_0 = arith.constant 0 : i32
    %c0_i32_1 = arith.constant 0 : i32
    return %c0_i32, %c0_i32_0 : i32, i32
  }
  func.func @transform_4(%arg0: i32) -> (i32, i32) {
    %c0_i32 = arith.constant 0 : i32
    %c0_i32_0 = arith.constant 0 : i32
    %c0_i32_1 = arith.constant 0 : i32
    return %c0_i32, %c0_i32_0 : i32, i32
  }
  func.func @transform_5(%arg0: i32) -> (i32, i32, i32) {
    %c0_i32 = arith.constant 0 : i32
    %c0_i32_0 = arith.constant 0 : i32
    %c0_i32_1 = arith.constant 0 : i32
    return %c0_i32, %arg0, %c0_i32_0 : i32, i32, i32
  }
  func.func @transform_6(%arg0: i32) -> (i32, i32, i32) {
    %c0_i32 = arith.constant 0 : i32
    %c0_i32_0 = arith.constant 0 : i32
    %c0_i32_1 = arith.constant 0 : i32
    return %c0_i32, %arg0, %c0_i32_0 : i32, i32, i32
  }
}

module attributes {stable_mosaic.version = 14 : i64} {
  func.func @_final_body(%arg0: i32, %arg1: memref<1x2000x80xf32, #tpu.memory_space<vmem>>, %arg2: memref<1x2000x80xf32, #tpu.memory_space<vmem>>, %arg3: memref<2000x128xf32, #tpu.memory_space<vmem>>, %arg4: memref<4x64xf32, #tpu.memory_space<vmem>>, %arg5: memref<64x2xf32, #tpu.memory_space<vmem>>, %arg6: memref<64x2xf32, #tpu.memory_space<vmem>>, %arg7: memref<128x2xf32, #tpu.memory_space<vmem>>, %arg8: memref<1x2xf32, #tpu.memory_space<vmem>>, %arg9: memref<2000x2xf32, #tpu.memory_space<vmem>>) attributes {dimension_semantics = [#tpu.dimension_semantics<arbitrary>], iteration_bounds = array<i64: 5>, scalar_prefetch = 0 : i64, scratch_operands = 0 : i64, tpu.core_type = #tpu.core_type<tc>, window_params = [{transform_indices = @transform_0, window_bounds = array<i64: 1, 2000, 80>}, {transform_indices = @transform_1, window_bounds = array<i64: 1, 2000, 80>}, {transform_indices = @transform_2, window_bounds = array<i64: 2000, 128>}, {pipeline_mode = #tpu.pipeline_mode<synchronous>, transform_indices = @transform_3, window_bounds = array<i64: 4, 64>}, {pipeline_mode = #tpu.pipeline_mode<synchronous>, transform_indices = @transform_4, window_bounds = array<i64: 64, 2>}, {pipeline_mode = #tpu.pipeline_mode<synchronous>, transform_indices = @transform_5, window_bounds = array<i64: 64, 2>}, {pipeline_mode = #tpu.pipeline_mode<synchronous>, transform_indices = @transform_6, window_bounds = array<i64: 128, 2>}, {pipeline_mode = #tpu.pipeline_mode<synchronous>, transform_indices = @transform_7, window_bounds = array<i64: 1, 2>}, {transform_indices = @transform_8, window_bounds = array<i64: 2000, 2>}]} {
    %get3A = arith.constant 0 : index
    %get3A_0 = arith.constant 0 : index
    %get3A_1 = arith.constant 0 : index
    %get3A_2 = vector.load %arg1[%get3A, %get3A_0, %get3A_1] : memref<1x2000x80xf32, #tpu.memory_space<vmem>>, vector<1x2000x80xf32>
    %get3A_3 = vector.shape_cast %get3A_2 : vector<1x2000x80xf32> to vector<2000x80xf32>
    %get3A_4 = arith.constant 0 : index
    %get3A_5 = arith.constant 0 : index
    %get3A_6 = arith.constant 0 : index
    %get3A_7 = vector.load %arg2[%get3A_4, %get3A_5, %get3A_6] : memref<1x2000x80xf32, #tpu.memory_space<vmem>>, vector<1x2000x80xf32>
    %get3A_8 = vector.shape_cast %get3A_7 : vector<1x2000x80xf32> to vector<2000x80xf32>
    %get3A_9 = arith.constant 0 : index
    %get3A_10 = arith.constant 0 : index
    %get3A_11 = vector.load %arg4[%get3A_9, %get3A_10] : memref<4x64xf32, #tpu.memory_space<vmem>>, vector<4x64xf32>
    %slice3A = vector.extract_strided_slice %get3A_3 {offsets = [0, 0], sizes = [2000, 64], strides = [1, 1]} : vector<2000x80xf32> to vector<2000x64xf32>
    %slice3A_12 = vector.extract_strided_slice %get3A_3 {offsets = [0, 64], sizes = [2000, 4], strides = [1, 1]} : vector<2000x80xf32> to vector<2000x4xf32>
    %dot_general3A = arith.constant dense<0.000000e+00> : vector<2000x64xf32>
    %dot_general3A_13 = tpu.matmul %slice3A_12, %get3A_11, %dot_general3A {dimension_numbers = #tpu.dot_dimension_numbers<[1], [0], [0], [1], [0, 0, 1, 1], [], []>, transpose_lhs_hint = false} : vector<2000x4xf32>, vector<4x64xf32>, vector<2000x64xf32> -> vector<2000x64xf32>
    %add3A = arith.constant 1.000000e-16 : f32
    %add3A_14 = vector.broadcast %add3A : f32 to vector<2000x64xf32>
    %add3A_15 = arith.addf %dot_general3A_13, %add3A_14 : vector<2000x64xf32>
    %div3A = arith.divf %slice3A, %add3A_15 : vector<2000x64xf32>
    %slice3A_16 = vector.extract_strided_slice %get3A_8 {offsets = [0, 0], sizes = [2000, 64], strides = [1, 1]} : vector<2000x80xf32> to vector<2000x64xf32>
    %slice3A_17 = vector.extract_strided_slice %get3A_8 {offsets = [0, 64], sizes = [2000, 4], strides = [1, 1]} : vector<2000x80xf32> to vector<2000x4xf32>
    %dot_general3A_18 = arith.constant dense<0.000000e+00> : vector<2000x64xf32>
    %dot_general3A_19 = tpu.matmul %slice3A_17, %get3A_11, %dot_general3A_18 {dimension_numbers = #tpu.dot_dimension_numbers<[1], [0], [0], [1], [0, 0, 1, 1], [], []>, transpose_lhs_hint = false} : vector<2000x4xf32>, vector<4x64xf32>, vector<2000x64xf32> -> vector<2000x64xf32>
    %add3A_20 = arith.constant 1.000000e-16 : f32
    %add3A_21 = vector.broadcast %add3A_20 : f32 to vector<2000x64xf32>
    %add3A_22 = arith.addf %dot_general3A_19, %add3A_21 : vector<2000x64xf32>
    %div3A_23 = arith.divf %slice3A_16, %add3A_22 : vector<2000x64xf32>
    %get3A_24 = arith.constant 0 : index
    %get3A_25 = arith.constant 0 : index
    %get3A_26 = vector.load %arg5[%get3A_24, %get3A_25] : memref<64x2xf32, #tpu.memory_space<vmem>>, vector<64x2xf32>
    %dot_general3A_27 = arith.constant dense<0.000000e+00> : vector<2000x2xf32>
    %dot_general3A_28 = tpu.matmul %div3A, %get3A_26, %dot_general3A_27 {dimension_numbers = #tpu.dot_dimension_numbers<[1], [0], [0], [1], [0, 0, 1, 1], [], []>, transpose_lhs_hint = false} : vector<2000x64xf32>, vector<64x2xf32>, vector<2000x2xf32> -> vector<2000x2xf32>
    %get3A_29 = arith.constant 0 : index
    %get3A_30 = arith.constant 0 : index
    %get3A_31 = vector.load %arg6[%get3A_29, %get3A_30] : memref<64x2xf32, #tpu.memory_space<vmem>>, vector<64x2xf32>
    %dot_general3A_32 = arith.constant dense<0.000000e+00> : vector<2000x2xf32>
    %dot_general3A_33 = tpu.matmul %div3A_23, %get3A_31, %dot_general3A_32 {dimension_numbers = #tpu.dot_dimension_numbers<[1], [0], [0], [1], [0, 0, 1, 1], [], []>, transpose_lhs_hint = false} : vector<2000x64xf32>, vector<64x2xf32>, vector<2000x2xf32> -> vector<2000x2xf32>
    %add3A_34 = arith.addf %dot_general3A_28, %dot_general3A_33 : vector<2000x2xf32>
    %get3A_35 = arith.constant 0 : index
    %get3A_36 = arith.constant 0 : index
    %get3A_37 = vector.load %arg3[%get3A_35, %get3A_36] : memref<2000x128xf32, #tpu.memory_space<vmem>>, vector<2000x128xf32>
    %get3A_38 = arith.constant 0 : index
    %get3A_39 = arith.constant 0 : index
    %get3A_40 = vector.load %arg7[%get3A_38, %get3A_39] : memref<128x2xf32, #tpu.memory_space<vmem>>, vector<128x2xf32>
    %dot_general3A_41 = arith.constant dense<0.000000e+00> : vector<2000x2xf32>
    %dot_general3A_42 = tpu.matmul %get3A_37, %get3A_40, %dot_general3A_41 {dimension_numbers = #tpu.dot_dimension_numbers<[1], [0], [0], [1], [0, 0, 1, 1], [], []>, transpose_lhs_hint = false} : vector<2000x128xf32>, vector<128x2xf32>, vector<2000x2xf32> -> vector<2000x2xf32>
    %add3A_43 = arith.addf %add3A_34, %dot_general3A_42 : vector<2000x2xf32>
    %get3A_44 = arith.constant 0 : index
    %get3A_45 = arith.constant 0 : index
    %get3A_46 = vector.load %arg8[%get3A_44, %get3A_45] : memref<1x2xf32, #tpu.memory_space<vmem>>, vector<1x2xf32>
    %add3A_47 = vector.broadcast %get3A_46 : vector<1x2xf32> to vector<2000x2xf32>
    %add3A_48 = arith.addf %add3A_43, %add3A_47 : vector<2000x2xf32>
    %swap3A = arith.constant 0 : index
    %swap3A_49 = arith.constant 0 : index
    %swap3A_50 = vector.load %arg9[%swap3A, %swap3A_49] : memref<2000x2xf32, #tpu.memory_space<vmem>>, vector<2000x2xf32>
    tpu.vector_store %arg9[%swap3A, %swap3A_49], %add3A_48 {strides = array<i32>} : memref<2000x2xf32, #tpu.memory_space<vmem>>, vector<2000x2xf32>,
    return
  }
  func.func @transform_0(%arg0: i32) -> (i32, i32, i32) {
    %c0_i32 = arith.constant 0 : i32
    %c0_i32_0 = arith.constant 0 : i32
    %c0_i32_1 = arith.constant 0 : i32
    return %c0_i32, %arg0, %c0_i32_0 : i32, i32, i32
  }
  func.func @transform_1(%arg0: i32) -> (i32, i32, i32) {
    %c1_i32 = arith.constant 1 : i32
    %c0_i32 = arith.constant 0 : i32
    %c0_i32_0 = arith.constant 0 : i32
    return %c1_i32, %arg0, %c0_i32 : i32, i32, i32
  }
  func.func @transform_2(%arg0: i32) -> (i32, i32) {
    %c0_i32 = arith.constant 0 : i32
    %c0_i32_0 = arith.constant 0 : i32
    return %arg0, %c0_i32 : i32, i32
  }
  func.func @transform_3(%arg0: i32) -> (i32, i32) {
    %c0_i32 = arith.constant 0 : i32
    %c0_i32_0 = arith.constant 0 : i32
    %c0_i32_1 = arith.constant 0 : i32
    return %c0_i32, %c0_i32_0 : i32, i32
  }
  func.func @transform_4(%arg0: i32) -> (i32, i32) {
    %c0_i32 = arith.constant 0 : i32
    %c0_i32_0 = arith.constant 0 : i32
    %c0_i32_1 = arith.constant 0 : i32
    return %c0_i32, %c0_i32_0 : i32, i32
  }
  func.func @transform_5(%arg0: i32) -> (i32, i32) {
    %c0_i32 = arith.constant 0 : i32
    %c0_i32_0 = arith.constant 0 : i32
    %c0_i32_1 = arith.constant 0 : i32
    return %c0_i32, %c0_i32_0 : i32, i32
  }
  func.func @transform_6(%arg0: i32) -> (i32, i32) {
    %c0_i32 = arith.constant 0 : i32
    %c0_i32_0 = arith.constant 0 : i32
    %c0_i32_1 = arith.constant 0 : i32
    return %c0_i32, %c0_i32_0 : i32, i32
  }
  func.func @transform_7(%arg0: i32) -> (i32, i32) {
    %c0_i32 = arith.constant 0 : i32
    %c0_i32_0 = arith.constant 0 : i32
    %c0_i32_1 = arith.constant 0 : i32
    return %c0_i32, %c0_i32_0 : i32, i32
  }
  func.func @transform_8(%arg0: i32) -> (i32, i32) {
    %c0_i32 = arith.constant 0 : i32
    %c0_i32_0 = arith.constant 0 : i32
    return %arg0, %c0_i32 : i32, i32
  }
}

</mosaic_0001>

<sc_bundles>
// kernel: kernel.5.cloned.1.call-start
scs
__scs_entry_jumppad:
0x0: {  	(pc) =	sbr.rel $0x88, $3  }
0x1: {  	(tag) =	ssettag $0x0;
	lr =	simm.s32 $0x1  }
0x2: {  	[smem:$0x3F95] =	sst lr;
	_ =	strace $0xD0000000  }
0x3: {  	_ = 	snop  }
0x4: {  	_ = 	snop  }
0x5: {  	_ = 	snop  }
0x6: {  	_ = 	snop  }
0x7: {  	_ = 	snop  }
__scs_overlays_trampoline_lowered:
0x8: {  	[smem:$0x3FA4] =	sst s0  }
0x9: {  	[smem:$0x3FA5] =	sst s1  }
0xa: {  	[smem:$0x3FA6] =	sst s2  }
0xb: {  	[smem:$0x3FA7] =	sst s3  }
0xc: {  	[smem:$0x3FA8] =	sst s4  }
0xd: {  	[smem:$0x3FA9] =	sst s5  }
0xe: {  	[smem:$0x3FAA] =	sst s6  }
0xf: {  	[smem:$0x3FAB] =	sst s7  }
0x10: {  	[smem:$0x3FAC] =	sst s8  }
0x11: {  	[smem:$0x3FAD] =	sst s9;
	s0 =	simm.s32 @!p0 $0x0  }
0x12: {  	s1 =	sld [smem:$0x3F93];
	s0 =	simm.s32 @p0 $0x1  }
0x13: {  	[smem:$0x3FAE] =	sst s0;
	s0 =	simm.s32 @!p1 $0x0  }
0x14: {  	s2 =	sld [smem:$0x3F92];
	s0 =	simm.s32 @p1 $0x1  }
0x15: {  	[smem:$0x3FAF] =	sst s0;
	s0 =	simm.s32 @!p2 $0x0  }
0x16: {  	s3 =	sld [smem:$0x3FDB];
	s0 =	simm.s32 @p2 $0x1  }
0x17: {  	s4 =	simm.s32 $0x1BF5;
	[smem:$0x3FB1] =	sst s0  }
0x18: {  	s0 =	sld [smem:$0x3F94];
	_ =	swait.ge [sflag:s4], $0x0  }
0x19: {  	s7 =	sld [smem:$0x3F95]  }
0x1a: {  	s8 =	sadd.s32 $0xFFFFE003, lr  }
0x1b: {  	s9 =	sadd.s32 $0xFFFFFEF7, lr;
	s5 =	simm.s32 $0xFFFFFFFF;
	p2 =	slt.u32 s8, $0xFFFFF086  }
0x1c: {  	p1 =	slt.u32 s9, $0xF7A;
	s5 =	simm.s32 @!p2 $0x0  }
0x1d: {  	s5 =	simm.s32 @p1 $0x1;
	p0 =	seq.s32 s7, s2  }
0x1e: {  	s7 =	smul.u32 @!p0 $0xF7A, s2;
	p2 =	seq.s32 @!p0 s5, $0x0  }
0x1f: {  	s9 =	smul.u32 $0xF7A, s1;
	s8 =	simm.s32 @!p0 $0x1BF5;
	p2 =	por !p2, p0  }
0x20: {  	[sflag:s8] =	ssyncset.s32 @!p0 $0xFFFFF086;
	s6 =	sadd.s32 @!p0 s3, s7;
	s7 =	simm.s32 @!p0 $0x108  }
0x21: {  	s3 =	sadd.s32 s3, s9;
	s6 =	sadd.s32 @!p0 $0x88, s6;
	s7 =	simm.s32 @p2 $0x1082  }
0x22: {  	[simem:s7], [sflag:s8] =	dma.local @!p0 [hbm:s6], $0xF7A  }
0x23: {  	s9 =	sor.u32 $0xD0000000, s2;
	s6 =	simm.s32 $0x108;
	_ =	swait.ge @!p0 [sflag:s8], $0x0  }
0x24: {  	s3 =	sadd.s32 $0x88, s3;
	s6 =	simm.s32 @!p1 $0x1082;
	[sflag:s4] =	ssyncset.s32 $0xFFFFF086  }
0x25: {  	[simem:s6], [sflag:s4] =	dma.local [hbm:s3], $0xF7A  }
0x26: {  	[smem:$0x3F95] =	sst s1;
	(tag) =	ssettag s2;
	_ =	strace s9  }
0x27: {  	s1 =	sld [smem:$0x3FA5]  }
0x28: {  	s2 =	sld [smem:$0x3FA6]  }
0x29: {  	s4 =	sld [smem:$0x3FA8]  }
0x2a: {  	p0 =	seq.s32 s5, $0x0;
	s5 =	sld [smem:$0x3FA9]  }
0x2b: {  	s6 =	sld [smem:$0x3FAA]  }
0x2c: {  	s7 =	sld [smem:$0x3FAB]  }
0x2d: {  	s3 =	simm.s32 $0x108;
	s8 =	sld [smem:$0x3FAC]  }
0x2e: {  	s3 =	simm.s32 @!p0 $0x1082;
	s9 =	sld [smem:$0x3FAD]  }
0x2f: {  	lr =	sadd.s32 s0, s3;
	s0 =	sld [smem:$0x3FA4]  }
0x30: {  	s3 =	sld [smem:$0x3FA7]  }
0x31: {  	[smem:$0x3FB0] =	sst s10  }
0x32: {  	s10 =	sld [smem:$0x3FAE];
	_ =	sdelay $0x3  }
0x33: {  	p0 =	seq.s32 s10, $0x1;
	s10 =	sld [smem:$0x3FB0];
	_ =	sdelay $0x3  }
0x34: {  	[smem:$0x3FB0] =	sst s10  }
0x35: {  	s10 =	sld [smem:$0x3FAF];
	_ =	sdelay $0x3  }
0x36: {  	p1 =	seq.s32 s10, $0x1;
	s10 =	sld [smem:$0x3FB0];
	_ =	sdelay $0x3  }
0x37: {  	[smem:$0x3FB0] =	sst s10  }
0x38: {  	s10 =	sld [smem:$0x3FB1]  }
0x39: {  	_ = 	snop;
	(pc) =	sbr.ind lr, $3  }
0x3a: {  	_ = 	snop  }
0x3b: {  	_ = 	snop  }
0x3c: {  	p2 =	seq.s32 s10, $0x1;
	s10 =	sld [smem:$0x3FB0]  }
0x3d: {  	_ =	shalt  }
0x3e: {  	_ =	shalt  }
0x3f: {  	_ =	shalt  }
0x40: {  	_ =	shalt  }
0x41: {  	_ =	shalt  }
0x42: {  	_ =	shalt  }
0x43: {  	_ =	shalt  }
0x44: {  	_ =	shalt  }
0x45: {  	_ =	shalt  }
0x46: {  	_ =	shalt  }
0x47: {  	_ =	shalt  }
0x48: {  	_ =	shalt  }
0x49: {  	_ =	shalt  }
0x4a: {  	_ =	shalt  }
0x4b: {  	_ =	shalt  }
0x4c: {  	_ =	shalt  }
0x4d: {  	_ =	shalt  }
0x4e: {  	_ =	shalt  }
0x4f: {  	_ =	shalt  }
0x50: {  	_ =	shalt  }
0x51: {  	_ =	shalt  }
0x52: {  	_ =	shalt  }
0x53: {  	_ =	shalt  }
0x54: {  	_ =	shalt  }
0x55: {  	_ =	shalt  }
0x56: {  	_ =	shalt  }
0x57: {  	_ =	shalt  }
0x58: {  	_ =	shalt  }
0x59: {  	_ =	shalt  }
0x5a: {  	_ =	shalt  }
0x5b: {  	_ =	shalt  }
0x5c: {  	_ =	shalt  }
0x5d: {  	_ =	shalt  }
0x5e: {  	_ =	shalt  }
0x5f: {  	_ =	shalt  }
0x60: {  	_ =	shalt  }
0x61: {  	_ =	shalt  }
0x62: {  	_ =	shalt  }
0x63: {  	_ =	shalt  }
0x64: {  	_ =	shalt  }
0x65: {  	_ =	shalt  }
0x66: {  	_ =	shalt  }
0x67: {  	_ =	shalt  }
0x68: {  	_ =	shalt  }
0x69: {  	_ =	shalt  }
0x6a: {  	_ =	shalt  }
0x6b: {  	_ =	shalt  }
0x6c: {  	_ =	shalt  }
0x6d: {  	_ =	shalt  }
0x6e: {  	_ =	shalt  }
0x6f: {  	_ =	shalt  }
0x70: {  	_ =	shalt  }
0x71: {  	_ =	shalt  }
0x72: {  	_ =	shalt  }
0x73: {  	_ =	shalt  }
0x74: {  	_ =	shalt  }
0x75: {  	_ =	shalt  }
0x76: {  	_ =	shalt  }
0x77: {  	_ =	shalt  }
0x78: {  	_ =	shalt  }
0x79: {  	_ =	shalt  }
0x7a: {  	_ =	shalt  }
0x7b: {  	_ =	shalt  }
0x7c: {  	_ =	shalt  }
0x7d: {  	_ =	shalt  }
0x7e: {  	_ =	shalt  }
0x7f: {  	_ =	shalt  }
0x80: {  	_ =	shalt  }
0x81: {  	_ =	shalt  }
0x82: {  	_ =	shalt  }
0x83: {  	_ =	shalt  }
0x84: {  	_ =	shalt  }
0x85: {  	_ =	shalt  }
0x86: {  	_ =	shalt  }
0x87: {  	_ =	shalt  }
.Lfunc_end0:
.L_simem_size_0:
called_computation_lowered:
.L_overlay_start_0:
0x88: {  	s2 =	sld [smem:$0x3FD9]  }
0x89: {  	s3 =	sld [smem:$0x3FFE];
	_ =	sdelay $0x1  }
0x8a: {  	s1 =	srdreg.scid  }
0x8b: {  	s0 =	sand.u32 $0x1, s1  }
0x8c: {  	s16 =	sshll.u32 s0, $0xA;
	s2 =	sadd.s32 s3, s2  }
0x8d: {  	s2 =	sadd.s32 s2, s16  }
0x8e: {  	[smem:$0x3FBC] =	sst s2  }
0x8f: {  	_ = 	snop  }
0x90: {  	(tm) =	ssettm $0x1  }
0x91: {  	s17 =	sld [smem:$0x3FFB];
	_ =	sdelay $0x3  }
0x92: {  	_ =	strace s17  }
0x93: {  	s2 =	sld [smem:$0x3FFC];
	_ =	sdelay $0x3  }
0x94: {  	_ =	strace s2  }
0x95: {  	s2 =	sld [smem:$0x3FFD];
	_ =	sdelay $0x3  }
0x96: {  	_ =	strace s2  }
0x97: {  	_ =	strace $0x8FFFFFFF  }
0x98: {  	s18 =	sld [smem:$0x3FDB];
	_ =	sdelay $0x1  }
0x99: {  	s19 =	simm.s32 $_scs_section_size  }
0x9a: {  	s4 =	simm.s32 $_size__tile_overlayer_lowered;
	s5 =	simm.s32 $_tile_overlayer_lowered  }
0x9b: {  	s22 =	simm.s32 $0x1BFF;
	s21 =	sshll.u32 s5, $0x1;
	s2 =	sadd.s32 s19, s18  }
0x9c: {  	s6 =	simm.s32 $0x0;
	s20 =	sshll.u32 s4, $0x1;
	s4 =	sadd.s32 s21, s2  }
0x9d: {  	[timem:s6], [sflag:s22] =	dma.local [hbm:s4], s20  }
0x9e: {  	_ =	swait.ge [sflag:s22], s20  }
0x9f: {  	s3 =	ssub.s32 $0x0, s20;
	[sflag:s22] =	ssyncset.done $0x0  }
0xa0: {  	[sflag:s22] =	ssyncadd.s32 s3;
	_ =	sdelay $0x1  }
0xa1: {  	s23 =	simm.s32 $0x1B8B  }
0xa2: {  	_ =	swait.ge [sflag:s23], $0x1  }
0xa3: {  	[sflag:s23] =	ssyncset.done $0x0  }
0xa4: {  	s25 =	simm.s32 $0x1B8E;
	s24 =	sld [smem:$0x3FFE];
	[sflag:s23] =	ssyncadd.s32 $0xFFFFFFFF  }
0xa5: {  	s26 =	simm.s32 $execute0_lowered;
	[smem:$0x3FD2] =	sst s25  }
0xa6: {  	s4 =	sshll.u32 s26, $0x1;
	_ =	strace $0x80000046;
	[dreg:$0x1] =	wrdreg $0xFFFFFFFF  }
0xa7: {  	s28 =	simm.s32 $_size_execute0_lowered;
	s2 =	sadd.s32 s2, s4;
	[dreg:$0x0] =	wrdreg $0x0  }
0xa8: {  	s4 =	sshll.u32 s28, $0x1;
	[dreg:$0x2] =	wrdreg s2  }
0xa9: {  	[dreg:$0x3] =	wrdreg s4  }
0xaa: {  	[dreg:$0x4] =	wrdreg $0xC0  }
0xab: {  	_ =	task [dreg:s6], $0x5FFFF  }
0xac: {  	[dreg:$0x1] =	wrdreg $0xFFFFFFFF  }
0xad: {  	[dreg:$0x0] =	wrdreg $0x60  }
0xae: {  	[dreg:$0x2] =	wrdreg s24  }
0xaf: {  	[dreg:$0x3] =	wrdreg $0xBE000  }
0xb0: {  	[dreg:$0x4] =	wrdreg $0x9  }
0xb1: {  	_ =	task.clear_ibuf [dreg:s6], $0x5FFFF;
	_ =	strace $0x90000046  }
0xb2: {  	s29 =	simm.s32 $0x9;
	_ =	strace $0x80000048  }
0xb3: {  	_ =	swait.ge [sflag:s29], $0x1  }
0xb4: {  	[sflag:s29] =	ssyncadd.s32 $0xFFFFFFFF  }
0xb5: {  	_ =	strace $0x90000048  }
0xb6: {  	_ =	sfence  }
0xb7: {  	s30 =	sld [smem:$0x0];
	_ =	sdelay $0x2  }
0xb8: {  	s31 =	sshll.u32 s1, $0xD;
	s1 =	sshrl.u32 s1, $0x2  }
0xb9: {  	s3 =	sand.u32 $0x4000, s31;
	s1 =	sadd.s32 s1, s30  }
0xba: {  	s0 =	sor.u32 s3, s0;
	s1 =	sshll.u32 s1, $0x11  }
0xbb: {  	s0 =	sor.u32 s1, s0  }
0xbc: {  	s0 =	sadd.s32 $0x8F2B, s0  }
0xbd: {  	[sflag:s0] =	ssyncadd.remote.s32 $0x1  }
0xbe: {  	_ =	sfence.sel $0xFFFF  }
0xbf: {  	[dreg:$0x0] =	wrdreg $0xFFFFFFFF;
	(pc) =	sbr.abs _section_cstart, $3  }
0xc0: {  	[dreg:$0x1] =	wrdreg $0xFFFFFFFF  }
0xc1: {  	_ =	task.clear_ibuf [dreg:s6], $0x2FFFF;
	_ =	strace $0x9FFFFFFF  }
0xc2: {  	(tm) =	ssettm $0x7FFFFFFF  }
0xc3: {  	_ =	shalt  }
tec
execute0_lowered:
.L_overlay_start_1:
0x0: {  	(tag) =	ssettag $0x1  }
0x1: {  	s0 =	rddreg [dreg:$0x0]  }
0x2: {  	s1 =	rddreg [dreg:$0x1];
	s2 =	srdreg.scid  }
0x3: {  	s3 =	simm.s32 $0x0;
	s13 =	stileid.u32;
	s30 =	simm.s32 $0x6400  }
0x4: {  	s31 =	simm.s32 $0x4E70;
	s14 =	simm.s32 $0x2;
	s2 =	sand.u32 $0x1, s2  }
0x5: {  	[smem:$0x7FF] =	sst s3;
	s9 =	smul.u32 $0xC800, s13;
	s4 =	sadd.s32 $0x27800, s0  }
0x6: {  	s5 =	sadd.s32 $0x600, s0;
	s8 =	sadd.s32 $0x3B200, s0;
	s6 =	smul.u32 $0xC8000, s2  }
0x7: {  	_ =	strace $0x80000047;
	s16 =	ssub.s32 $0x2, s2;
	s15 =	smul.u32 $0x2710, s2  }
0x8: {  	s11 =	sshrl.u32 s16, $0x1;
	s20 =	sadd.s32 s9, s1;
	s7 =	sadd.s32 s9, s6  }
0x9: {  	s6 =	sadd.s32 $0x45000, s0;
	s10 =	sshrl.u32 s7, $0x3;
	s7 =	smul.u32 $0x4E20, s13  }
0xa: {  	s29 =	sshrl.u32 s20, $0x3;
	s13 =	smul.u32 $0x32000, s13;
	s0 =	sadd.s32 s10, s0  }
0xb: {  	[dreg:$0xf] =	wrdreg s29;
	s10 =	ssub.s32 s16, s11;
	s0 =	sadd.s32 $0x4EE00, s0  }
0xc: {  	s12 =	sshrl.u32 s7, $0x3;
	s21 =	smax.u32 s10, $0x1;
	[dreg:$0x5] =	wrdreg s0  }
0xd: {  	s2 =	simm.s32 $0x4F10;
	s17 =	sadd.s32 s6, s12;
	[dreg:$0x6] =	wrdreg s21  }
0xe: {  	s19 =	sshrl.u32 s13, $0x2;
	s18 =	sadd.s32 s8, s12;
	[dreg:$0x3] =	wrdreg s17  }
0xf: {  	s9 =	simm.s32 $0x7800;
	s0 =	sadd.s32 s19, s1;
	[dreg:$0x4] =	wrdreg s18  }
0x10: {  	v0 =	vmov s15;
	s15 =	simm.s32 $0x4;
	s22 =	sadd.s32 $0x1900, s0;
	[dreg:$0x7] =	wrdreg s0  }
0x11: {  	s11 =	simm.s32 $0x3;
	s23 =	sadd.s32 $0x3200, s0;
	[dreg:$0x8] =	wrdreg s22  }
0x12: {  	s16 =	simm.s32 $0x4FB0;
	s24 =	sadd.s32 $0x4B00, s0;
	[dreg:$0x9] =	wrdreg s23  }
0x13: {  	s10 =	simm.s32 $0x1;
	s25 =	sadd.s32 $0x6400, s0;
	[dreg:$0xa] =	wrdreg s24  }
.Ltmp0:
0x14: {  	s26 =	sadd.s32 $0x7D00, s0;
	[dreg:$0xb] =	wrdreg s25;
	(pc) =	sbr.rel .LBB2_1-.Ltmp0, $4  }
0x15: {  	s21 =	simm.s32 $0x8C00;
	s28 =	sadd.s32 $0x9600, s0;
	[dreg:$0xc] =	wrdreg s26  }
0x16: {  	v3 =	vlaneseq.u32;
	s12 =	simm.s32 $0x4F60;
	s0 =	sadd.s32 $0xAF00, s0;
	[dreg:$0xd] =	wrdreg s28  }
0x17: {  	v1 =	vand.u32 $0x3, v3;
	s17 =	simm.s32 $0xA500;
	s18 =	simm.s32 $0x0;
	[dreg:$0xe] =	wrdreg s0  }
0x18: {  	v2 =	vimm.f32 $0.0e+00;
	v3 =	vor.u32 $0x8, v3;
	v4 =	vor.u32 $0x4, v1;
	s22 =	simm.s32 $0x7;
	s25 =	simm.s32 $0x50;
	s0 =	simm.s32 $0x5A00  }
.LBB2_13:
0x19: {  	s13 =	simm.s32 $0x5  }
0x1a: {  	_ =	swait.ge [sflag:s13], $0x1900  }
0x1b: {  	[sflag:s13] =	ssyncset.done $0x0  }
0x1c: {  	s24 =	simm.s32 $0x6;
	[sflag:s13] =	ssyncadd.s32 $0xFFFFE700  }
0x1d: {  	_ =	swait.ge [sflag:s24], $0x1900  }
0x1e: {  	[sflag:s24] =	ssyncset.done $0x0  }
0x1f: {  	[sflag:s24] =	ssyncadd.s32 $0xFFFFE700  }
0x20: {  	s26 =	stileid.u32;
	[bflag:$0x0] =	sbarrier.arrive $0xFFFF  }
0x21: {  	s13 =	sshll.u32 s26, $0x6;
	s18 =	rddreg [dreg:$0x5]  }
0x22: {  	s13 =	sor.u32 $0x1C07, s13;
	s19 =	rddreg [dreg:$0xf]  }
0x23: {  	[hbm:s18], [sflag:s13] =	dma.local [spmem:s19], $0x1900  }
0x24: {  	_ =	swait.ge [sflag:s22], $0x1900  }
0x25: {  	s28 =	rddreg [dreg:$0x10]  }
0x26: {  	s29 =	rddreg [dreg:$0x6];
	s18 =	sadd.s32 $0x1, s28  }
0x27: {  	p0 =	sne.s32 s18, s29  }
.Ltmp1:
0x28: {  	_ = 	snop;
	(pc) =	sbr.rel @!p0 .LBB2_14-.Ltmp1, $3  }
0x29: {  	_ =	sdelay $0x1  }
0x2a: {  	[sflag:s22] =	ssyncset.done $0x0  }
0x2b: {  	[sflag:s22] =	ssyncadd.s32 $0xFFFFE700  }
.LBB2_1:
0x2c: {  	[dreg:$0x10] =	wrdreg s18;
	s13 =	simm.s32 $0x40;
	s18 =	simm.s32 $0x240  }
.LBB2_2:
0x2d: {  	p0 =	sne.s32 s18, $0x63C0;
	[tilespmem:s13+$0xA500] =	vst v2  }
0x2e: {  	[tilespmem:s13+$0x8BC0] =	vst v2  }
0x2f: {  	[tilespmem:s13+$0x8BD0] =	vst v2  }
0x30: {  	[tilespmem:s13+$0x8BE0] =	vst v2  }
0x31: {  	[tilespmem:s13+$0x8BF0] =	vst v2  }
.Ltmp2:
0x32: {  	[tilespmem:s13+$0x8C00] =	vst v2;
	(pc) =	sbr.rel @p0 .LBB2_2-.Ltmp2, $4  }
0x33: {  	[tilespmem:s13+$0xA4C0] =	vst v2  }
0x34: {  	[tilespmem:s13+$0xA4D0] =	vst v2  }
0x35: {  	[tilespmem:s13+$0xA4E0] =	vst v2  }
0x36: {  	[tilespmem:s13+$0xA4F0] =	vst v2;
	s13 =	sshra.s32 s18, $0x2;
	s18 =	sadd.s32 $0x140, s18  }
0x37: {  	[tilespmem:s13+$0xA500] =	vst v2  }
0x38: {  	[tilespmem:s13+$0x8BC0] =	vst v2  }
0x39: {  	[tilespmem:s13+$0x8BD0] =	vst v2  }
0x3a: {  	[tilespmem:s13+$0x8BE0] =	vst v2  }
0x3b: {  	[tilespmem:s13+$0x8BF0] =	vst v2  }
0x3c: {  	[tilespmem:s13+$0x8C00] =	vst v2  }
0x3d: {  	[tilespmem:s13+$0xA4C0] =	vst v2  }
0x3e: {  	[tilespmem:s13+$0xA4D0] =	vst v2  }
0x3f: {  	[tilespmem:s13+$0xA4E0] =	vst v2  }
0x40: {  	[tilespmem:s13+$0xA4F0] =	vst v2;
	s20 =	rddreg [dreg:$0x7]  }
0x41: {  	[spmem:s20] =	stream.linear.scatter [tilespmem:s21], [sflag:$0x7], $0x1900, $0x38;
	[tilespmem:$0x18600] =	vst v63  }
0x42: {  	_ =	swait.ge [sflag:s22], $0x1900  }
0x43: {  	[sflag:s22] =	ssyncset.done $0x0  }
0x44: {  	s23 =	rddreg [dreg:$0x8];
	[sflag:s22] =	ssyncadd.s32 $0xFFFFE700  }
0x45: {  	[spmem:s23] =	stream.linear.scatter [tilespmem:s21], [sflag:$0x7], $0x1900, $0x38;
	[tilespmem:$0x18600] =	vst v63  }
0x46: {  	_ =	swait.ge [sflag:s22], $0x1900  }
0x47: {  	[sflag:s22] =	ssyncset.done $0x0  }
0x48: {  	s24 =	rddreg [dreg:$0x9];
	[sflag:s22] =	ssyncadd.s32 $0xFFFFE700  }
0x49: {  	[spmem:s24] =	stream.linear.scatter [tilespmem:s21], [sflag:$0x7], $0x1900, $0x38;
	[tilespmem:$0x18600] =	vst v63  }
0x4a: {  	_ =	swait.ge [sflag:s22], $0x1900  }
0x4b: {  	[sflag:s22] =	ssyncset.done $0x0  }
0x4c: {  	s26 =	rddreg [dreg:$0xa];
	[sflag:s22] =	ssyncadd.s32 $0xFFFFE700  }
0x4d: {  	[spmem:s26] =	stream.linear.scatter [tilespmem:s21], [sflag:$0x7], $0x1900, $0x38;
	[tilespmem:$0x18600] =	vst v63  }
0x4e: {  	_ =	swait.ge [sflag:s22], $0x1900  }
0x4f: {  	[sflag:s22] =	ssyncset.done $0x0  }
0x50: {  	s28 =	rddreg [dreg:$0xb];
	[sflag:s22] =	ssyncadd.s32 $0xFFFFE700  }
0x51: {  	[spmem:s28] =	stream.linear.scatter [tilespmem:s21], [sflag:$0x7], $0x1900, $0x38;
	[tilespmem:$0x18600] =	vst v63  }
0x52: {  	_ =	swait.ge [sflag:s22], $0x1900  }
0x53: {  	[sflag:s22] =	ssyncset.done $0x0  }
0x54: {  	s29 =	rddreg [dreg:$0xc];
	[sflag:s22] =	ssyncadd.s32 $0xFFFFE700  }
0x55: {  	[spmem:s29] =	stream.linear.scatter [tilespmem:s21], [sflag:$0x7], $0x1900, $0x38;
	[tilespmem:$0x18600] =	vst v63  }
0x56: {  	_ =	swait.ge [sflag:s22], $0x1900  }
0x57: {  	[sflag:s22] =	ssyncset.done $0x0  }
0x58: {  	s18 =	rddreg [dreg:$0xd];
	[sflag:s22] =	ssyncadd.s32 $0xFFFFE700  }
0x59: {  	[spmem:s18] =	stream.linear.scatter [tilespmem:s21], [sflag:$0x7], $0x1900, $0x38;
	[tilespmem:$0x18600] =	vst v63  }
0x5a: {  	_ =	swait.ge [sflag:s22], $0x1900  }
0x5b: {  	[sflag:s22] =	ssyncset.done $0x0  }
0x5c: {  	s19 =	rddreg [dreg:$0xe];
	[sflag:s22] =	ssyncadd.s32 $0xFFFFE700  }
0x5d: {  	[spmem:s19] =	stream.linear.scatter [tilespmem:s21], [sflag:$0x7], $0x1900, $0x38;
	[tilespmem:$0x18600] =	vst v63  }
0x5e: {  	_ =	swait.ge [sflag:s22], $0x1900  }
0x5f: {  	[sflag:s22] =	ssyncset.done $0x0  }
0x60: {  	[sflag:s22] =	ssyncadd.s32 $0xFFFFE700  }
0x61: {  	[bflag:$0x0] =	sbarrier.arrive $0xFFFF  }
0x62: {  	s24 =	simm.s32 $0x0;
	s20 =	rddreg [dreg:$0x3]  }
0x63: {  	[tilespmem:s24], [sflag:$0x7] =	stream.linear.gather [hbm4b:s20+s24], $0x2710, $0x38;
	[tilespmem:$0x18600] =	vst v63  }
0x64: {  	_ =	swait.ge [sflag:s22], $0x2710  }
0x65: {  	[sflag:s22] =	ssyncset.done $0x0  }
0x66: {  	s18 =	simm.s32 $0x2710;
	s23 =	rddreg [dreg:$0x4];
	[sflag:s22] =	ssyncadd.s32 $0xFFFFD8F0  }
0x67: {  	[tilespmem:s18], [sflag:$0x7] =	stream.linear.gather [hbm4b:s23+s24], $0x2710, $0x38;
	[tilespmem:$0x18600] =	vst v63  }
0x68: {  	_ =	swait.ge [sflag:s22], $0x2710  }
0x69: {  	[sflag:s22] =	ssyncset.done $0x0  }
0x6a: {  	[sflag:s22] =	ssyncadd.s32 $0xFFFFD8F0  }
0x6b: {  	v5 =	vld [tilespmem:$0x0]  }
0x6c: {  	v6 =	vld [tilespmem:$0x2710]  }
0x6d: {  	v7 =	vld [tilespmem:$0x10]  }
0x6e: {  	v8 =	vld [tilespmem:$0x2720]  }
0x6f: {  	v9 =	vld [tilespmem:$0x20]  }
0x70: {  	v10 =	vld [tilespmem:$0x2730];
	v5 =	vadd.s32 v0, v5  }
0x71: {  	[tilespmem:$0x4E20] =	vst v5;
	v5 =	vadd.s32 v0, v6;
	v6 =	vld [tilespmem:$0x30]  }
0x72: {  	[tilespmem:$0x4EC0] =	vst v5;
	v5 =	vadd.s32 v0, v7;
	v7 =	vld [tilespmem:$0x2740]  }
0x73: {  	v62 =	vld [tilespmem:$0x40];
	[tilespmem:$0x4E30] =	vst v5;
	v5 =	vadd.s32 v0, v8  }
0x74: {  	v63 =	vld [tilespmem:$0x2750];
	[tilespmem:$0x4ED0] =	vst v5;
	v5 =	vadd.s32 v0, v9  }
0x75: {  	[tilespmem:$0x4E40] =	vst v5;
	v5 =	vadd.s32 v0, v10  }
0x76: {  	[tilespmem:$0x4EE0] =	vst v5;
	v5 =	vadd.s32 v0, v6  }
0x77: {  	[tilespmem:$0x4E50] =	vst v5;
	v5 =	vadd.s32 v0, v7  }
0x78: {  	[tilespmem:$0x4EF0] =	vst v5;
	v5 =	vadd.s32 v0, v62  }
0x79: {  	[tilespmem:$0x4E60] =	vst v5;
	v5 =	vadd.s32 v0, v63  }
0x7a: {  	s26 =	simm.s32 $0x4E20;
	s28 =	simm.s32 $0x5000;
	[tilespmem:$0x4F00] =	vst v5  }
0x7b: {  	[tilespmem:s28], [sflag:$0x1] =	stream.indirect.gather [hbm4b:s4+s25], $0x20, s26, s25, $0xb8;
	[tilespmem:$0x18600] =	vst v63  }
0x7c: {  	s29 =	simm.s32 $0x4EC0  }
0x7d: {  	[tilespmem:s30], [sflag:$0x3] =	stream.indirect.gather [hbm4b:s5+s25], $0x40, s29, s25, $0xb8;
	[tilespmem:$0x18600] =	vst v63  }
.LBB2_4:
0x7e: {  	s13 =	sshll.u32 s24, $0x1;
	s18 =	sshllo.u32 s24, $0x1  }
0x7f: {  	s19 =	sadd.s32 $0xFFFFFF84, s13;
	p0 =	slt.u32 s18, $0x7D  }
0x80: {  	s19 =	smov.u32 @p0 s18  }
0x81: {  	p0 =	sne.s32 s19, $0x0  }
0x82: {  	p1 =	sgt.u32 @!p0 s24, $0x3D  }
0x83: {  	s18 =	simm.s32 @!p0 $0x2710;
	p1 =	por !p1, p0  }
0x84: {  	s18 =	simm.s32 @p1 $0x0  }
0x85: {  	s18 =	sadd.s32 @!p0 s7, s18  }
0x86: {  	s18 =	sshrl.u32 @!p0 s18, $0x3  }
0x87: {  	s23 =	simm.s32 @!p0 $0x0;
	s20 =	sadd.s32 @!p0 s6, s18  }
0x88: {  	[tilespmem:s23], [sflag:$0x7] =	stream.linear.gather @!p0 [hbm4b:s20+s23], $0x2710, $0x38;
	[tilespmem:$0x18600] =	vst v63  }
0x89: {  	s20 =	simm.s32 @!p0 $0x7  }
0x8a: {  	_ =	swait.ge @!p0 [sflag:s20], $0x2710  }
0x8b: {  	[sflag:s20] =	ssyncset.done @!p0 $0x0  }
0x8c: {  	s26 =	simm.s32 @!p0 $0x2710;
	s18 =	sadd.s32 @!p0 s8, s18;
	[sflag:s20] =	ssyncadd.s32 @!p0 $0xFFFFD8F0  }
0x8d: {  	[tilespmem:s26], [sflag:$0x7] =	stream.linear.gather @!p0 [hbm4b:s18+s23], $0x2710, $0x38;
	[tilespmem:$0x18600] =	vst v63  }
0x8e: {  	_ =	swait.ge @!p0 [sflag:s20], $0x2710  }
0x8f: {  	s19 =	smul.u32 $0x50, s19;
	[sflag:s20] =	ssyncset.done @!p0 $0x0  }
0x90: {  	[sflag:s20] =	ssyncadd.s32 @!p0 $0xFFFFD8F0  }
0x91: {  	v5 =	vld [tilespmem:s19+$0x0];
	_ =	sdelay $0x4  }
0x92: {  	v5 =	vadd.s32 v0, v5  }
0x93: {  	[tilespmem:$0x4E70] =	vst v5  }
0x94: {  	v5 =	vld [tilespmem:s19+$0x2710];
	_ =	sdelay $0x4  }
0x95: {  	v5 =	vadd.s32 v0, v5  }
0x96: {  	[tilespmem:$0x4F10] =	vst v5  }
0x97: {  	v5 =	vld [tilespmem:s19+$0x10];
	_ =	sdelay $0x4  }
0x98: {  	v5 =	vadd.s32 v0, v5  }
0x99: {  	[tilespmem:$0x4E80] =	vst v5  }
0x9a: {  	v5 =	vld [tilespmem:s19+$0x2720];
	_ =	sdelay $0x4  }
0x9b: {  	v5 =	vadd.s32 v0, v5  }
0x9c: {  	[tilespmem:$0x4F20] =	vst v5  }
0x9d: {  	v5 =	vld [tilespmem:s19+$0x20];
	_ =	sdelay $0x4  }
0x9e: {  	v5 =	vadd.s32 v0, v5  }
0x9f: {  	[tilespmem:$0x4E90] =	vst v5  }
0xa0: {  	v5 =	vld [tilespmem:s19+$0x2730];
	_ =	sdelay $0x4  }
0xa1: {  	v5 =	vadd.s32 v0, v5  }
0xa2: {  	[tilespmem:$0x4F30] =	vst v5  }
0xa3: {  	v5 =	vld [tilespmem:s19+$0x30];
	_ =	sdelay $0x4  }
0xa4: {  	v5 =	vadd.s32 v0, v5  }
0xa5: {  	[tilespmem:$0x4EA0] =	vst v5  }
0xa6: {  	v5 =	vld [tilespmem:s19+$0x2740];
	_ =	sdelay $0x4  }
0xa7: {  	v5 =	vadd.s32 v0, v5  }
0xa8: {  	[tilespmem:$0x4F40] =	vst v5  }
0xa9: {  	v5 =	vld [tilespmem:s19+$0x40];
	_ =	sdelay $0x4  }
0xaa: {  	v5 =	vadd.s32 v0, v5  }
0xab: {  	[tilespmem:$0x4EB0] =	vst v5  }
0xac: {  	v5 =	vld [tilespmem:s19+$0x2750];
	_ =	sdelay $0x4  }
0xad: {  	v5 =	vadd.s32 v0, v5  }
0xae: {  	[tilespmem:$0x4F50] =	vst v5  }
0xaf: {  	[tilespmem:s0], [sflag:$0x2] =	stream.indirect.gather [hbm4b:s4+s25], $0x20, s31, s25, $0xb8;
	[tilespmem:$0x18600] =	vst v63  }
0xb0: {  	_ = 	snop  }
0xb1: {  	[tilespmem:s9], [sflag:$0x4] =	stream.indirect.gather [hbm4b:s5+s25], $0x40, s2, s25, $0xb8;
	[tilespmem:$0x18600] =	vst v63  }
0xb2: {  	_ =	swait.ge [sflag:s10], $0xA00  }
0xb3: {  	[sflag:s10] =	ssyncset.done $0x0  }
0xb4: {  	[sflag:s10] =	ssyncadd.s32 $0xFFFFF600  }
0xb5: {  	_ =	swait.ge [sflag:s11], $0x1400  }
0xb6: {  	p0 =	seq.s32 s24, $0x0;
	[sflag:s11] =	ssyncset.done $0x0  }
0xb7: {  	s18 =	simm.s32 @!p0 $0x5;
	[sflag:s11] =	ssyncadd.s32 $0xFFFFEC00  }
0xb8: {  	_ =	swait.ge @!p0 [sflag:s18], $0x1900  }
0xb9: {  	[sflag:s18] =	ssyncset.done @!p0 $0x0  }
0xba: {  	s20 =	simm.s32 $0x5040;
	[sflag:s18] =	ssyncadd.s32 @!p0 $0xFFFFE700  }
0xbb: {  	s23 =	simm.s32 $0x6480;
	v5 =	vld [tilespmem:s20+$0x0]  }
0xbc: {  	v6 =	vld [tilespmem:s23+$0x50]  }
0xbd: {  	v7 =	vld [tilespmem:s20+$0x30]  }
0xbe: {  	v9 =	vld [tilespmem:s20+$0x10]  }
0xbf: {  	v10 =	vld [tilespmem:s20+$0x20]  }
0xc0: {  	v11 =	vld [tilespmem:s20+$0xFFFFFFC0]  }
0xc1: {  	v12 =	vld [tilespmem:s23+$0x40]  }
0xc2: {  	s26 =	simm.s32 $0x50C0;
	v17 =	vld [tilespmem:s23+$0xFFFFFF90]  }
0xc3: {  	s18 =	simm.s32 $0x6580;
	v26 =	vld [tilespmem:s26+$0x10]  }
0xc4: {  	v28 =	vld [tilespmem:s18+$0xFFFFFFD0]  }
0xc5: {  	v34 =	vld [tilespmem:s18+$0xFFFFFFC0];
	v13 =	vunpack.i.u.bf16.f32 v5  }
0xc6: {  	v38 =	vld [tilespmem:s18+$0xFFFFFF80];
	v5 =	vunpack.i.l.bf16.f32 v5;
	v15 =	vunpack.i.u.bf16.f32 v6;
	v16 =	vunpack.i.l.bf16.f32 v7  }
0xc7: {  	v40 =	vld [tilespmem:s26+$0xFFFFFFE0];
	v7 =	vunpack.i.u.bf16.f32 v7;
	v6 =	vunpack.i.l.bf16.f32 v6;
	v18 =	vunpack.i.l.bf16.f32 v9  }
0xc8: {  	v44 =	vld [tilespmem:s26+$0xFFFFFFF0];
	v20 =	vunpack.i.l.bf16.f32 v10;
	v21 =	vunpack.i.u.bf16.f32 v11;
	v22 =	vunpack.i.u.bf16.f32 v12  }
0xc9: {  	v57 =	vld [tilespmem:s26+$0xFFFFFFD0];
	v12 =	vunpack.i.l.bf16.f32 v12;
	v10 =	vunpack.i.u.bf16.f32 v10;
	v11 =	vunpack.i.l.bf16.f32 v11  }
0xca: {  	v8 =	vld [tilespmem:s23+$0x10];
	v24 =	vunpack.i.l.bf16.f32 v17;
	v17 =	vunpack.i.u.bf16.f32 v17;
	v9 =	vunpack.i.u.bf16.f32 v9  }
0xcb: {  	v14 =	vld [tilespmem:s23+$0xFFFFFF80];
	v35 =	vunpack.i.l.bf16.f32 v26;
	v39 =	vunpack.i.l.bf16.f32 v28;
	v45 =	vunpack.i.l.bf16.f32 v34  }
0xcc: {  	v28 =	vunpack.i.u.bf16.f32 v28;
	v54 =	vunpack.i.u.bf16.f32 v34;
	v47 =	vunpack.i.u.bf16.f32 v40  }
0xcd: {  	v48 =	vunpack.i.u.bf16.f32 v38;
	v49 =	vunpack.i.l.bf16.f32 v44;
	v38 =	vunpack.i.l.bf16.f32 v38  }
0xce: {  	v19 =	vld [tilespmem:s20+$0xFFFFFFD0];
	v40 =	vunpack.i.l.bf16.f32 v40;
	v59 =	vunpack.i.u.bf16.f32 v57;
	v7 =	vmul.f32 v15, v7  }
0xcf: {  	v15 =	vunpack.i.l.bf16.f32 v8;
	v12 =	vmul.f32 v12, v20;
	v10 =	vmul.f32 v22, v10  }
0xd0: {  	v23 =	vld [tilespmem:s23+$0xFFFFFFD0];
	v20 =	vunpack.i.u.bf16.f32 v14;
	v6 =	vmul.f32 v6, v16;
	v39 =	vmul.f32 v39, v49  }
0xd1: {  	v14 =	vunpack.i.l.bf16.f32 v14;
	v22 =	vld [tilespmem:s23+$0x0];
	v60 =	vmul.f32 v45, v40;
	v20 =	vmul.f32 v20, v21  }
0xd2: {  	v8 =	vunpack.i.u.bf16.f32 v8;
	v11 =	vmul.f32 v14, v11;
	v14 =	vld [tilespmem:s23+$0xFFFFFFC0];
	v15 =	vmul.f32 v15, v18  }
0xd3: {  	v16 =	vld [tilespmem:s20+$0xFFFFFFE0];
	v18 =	vunpack.i.u.bf16.f32 v19;
	v10 =	vadd.f32 v12, v10;
	v12 =	vunpack.i.l.bf16.f32 v19  }
0xd4: {  	v8 =	vmul.f32 v8, v9;
	v12 =	vmul.f32 v24, v12;
	v11 =	vadd.f32 v11, v20  }
0xd5: {  	v19 =	vld [tilespmem:s20+$0xFFFFFFF0];
	v17 =	vmul.f32 v17, v18;
	v20 =	vunpack.i.u.bf16.f32 v23;
	v6 =	vadd.f32 v6, v10  }
0xd6: {  	v10 =	vunpack.i.l.bf16.f32 v23;
	v11 =	vadd.f32 v12, v11;
	v12 =	vunpack.i.u.bf16.f32 v22  }
0xd7: {  	v24 =	vld [tilespmem:s26+$0x0];
	v18 =	vunpack.i.l.bf16.f32 v22;
	v6 =	vadd.f32 v6, v7;
	v7 =	vunpack.i.l.bf16.f32 v14  }
0xd8: {  	v21 =	vld [tilespmem:s23+$0xFFFFFFF0];
	v5 =	vmul.f32 v18, v5;
	v14 =	vunpack.i.u.bf16.f32 v14;
	v18 =	vunpack.i.u.bf16.f32 v16  }
0xd9: {  	v23 =	vld [tilespmem:s23+$0x70];
	v12 =	vmul.f32 v12, v13;
	v16 =	vunpack.i.l.bf16.f32 v16;
	v17 =	vadd.f32 v11, v17  }
0xda: {  	v22 =	vunpack.i.l.bf16.f32 v19;
	v19 =	vunpack.i.u.bf16.f32 v19;
	v7 =	vmul.f32 v7, v16  }
0xdb: {  	v14 =	vmul.f32 v14, v18;
	v11 =	vperm.xlane v6, v3;
	v5 =	vadd.f32 v5, v12  }
0xdc: {  	v16 =	vld [tilespmem:s26+$0x30];
	v10 =	vmul.f32 v10, v22;
	v25 =	vunpack.i.u.bf16.f32 v24;
	v24 =	vunpack.i.l.bf16.f32 v24  }
0xdd: {  	v13 =	vperm.xlane v17, v3;
	v14 =	vadd.f32 v7, v14;
	v7 =	vunpack.i.l.bf16.f32 v21  }
0xde: {  	v18 =	vunpack.i.u.bf16.f32 v23;
	v6 =	vadd.f32 v6, v11;
	v11 =	vld [tilespmem:s23+$0xFFFFFFA0];
	v15 =	vadd.f32 v15, v5  }
0xdf: {  	v12 =	vadd.f32 v17, v13;
	v13 =	vld [tilespmem:s23+$0xFFFFFFB0];
	v14 =	vadd.f32 v10, v14;
	v10 =	vunpack.i.u.bf16.f32 v21  }
0xe0: {  	v21 =	vld [tilespmem:s26+$0x20];
	v17 =	vperm.xlane v6, v4;
	v8 =	vadd.f32 v15, v8;
	v15 =	vmul.f32 v20, v19  }
0xe1: {  	v20 =	vld [tilespmem:s23+$0x30];
	v30 =	vunpack.i.l.bf16.f32 v16;
	v16 =	vunpack.i.u.bf16.f32 v16;
	v9 =	vperm.xlane v12, v4  }
0xe2: {  	v19 =	vld [tilespmem:s23+$0x60];
	v6 =	vadd.f32 v6, v17;
	v17 =	vperm.xlane v8, v3;
	v14 =	vadd.f32 v14, v15  }
0xe3: {  	v15 =	vld [tilespmem:s26+$0xFFFFFFC0];
	v9 =	vadd.f32 v12, v9;
	v36 =	vunpack.i.l.bf16.f32 v11;
	v11 =	vunpack.i.u.bf16.f32 v11  }
0xe4: {  	v12 =	vld [tilespmem:s18+$0x50];
	v6 =	vmul.f32 $2.500000000e-01, v6;
	v27 =	vunpack.i.l.bf16.f32 v13;
	v32 =	vunpack.i.u.bf16.f32 v13  }
0xe5: {  	v17 =	vadd.f32 v8, v17;
	v37 =	vperm.xlane v14, v3;
	v42 =	vunpack.i.l.bf16.f32 v21  }
0xe6: {  	v31 =	vld [tilespmem:s18+$0xFFFFFF90];
	v21 =	vunpack.i.u.bf16.f32 v21;
	v9 =	vmul.f32 $2.500000000e-01, v9;
	v8 =	vunpack.i.u.bf16.f32 v20  }
0xe7: {  	v13 =	vunpack.i.u.bf16.f32 v19;
	v6 =	vmul.f32 $1.442695020e+00, v6;
	v53 =	vperm.xlane v17, v4  }
0xe8: {  	v22 =	vld [tilespmem:s18+$0x10];
	v37 =	vadd.f32 v14, v37;
	v9 =	vmul.f32 $1.442695020e+00, v9;
	v46 =	vunpack.i.u.bf16.f32 v15  }
0xe9: {  	v52 =	vld [tilespmem:s18+$0x40];
	(erf) = vpow2.f32 v6;
	v29 =	vunpack.i.u.bf16.f32 v12;
	v33 =	vunpack.i.l.bf16.f32 v12  }
0xea: {  	(erf) = vpow2.f32 v9;
	v9 =	vunpack.i.l.bf16.f32 v20;
	v20 =	vunpack.i.l.bf16.f32 v23;
	v23 =	vld [tilespmem:s18+$0x0]  }
0xeb: {  	v12 =	vunpack.i.l.bf16.f32 v19;
	v19 =	vunpack.i.l.bf16.f32 v31;
	v17 =	vadd.f32 v17, v53  }
0xec: {  	v56 =	vperm.xlane v37, v4;
	v31 =	vunpack.i.u.bf16.f32 v31;
	v58 =	vmul.f32 v48, v46  }
0xed: {  	v16 =	vmul.f32 v29, v16;
	v29 =	vunpack.i.l.bf16.f32 v22;
	v30 =	vmul.f32 v33, v30  }
0xee: {  	v29 =	vmul.f32 v29, v35;
	v35 =	vunpack.i.l.bf16.f32 v52;
	v17 =	vmul.f32 $2.500000000e-01, v17  }
0xef: {  	v55 =	vmul.f32 v35, v42;
	v41 =	vunpack.i.u.bf16.f32 v23;
	v23 =	vunpack.i.l.bf16.f32 v23  }
0xf0: {  	v23 =	vmul.f32 v23, v24;
	v24 =	vunpack.i.u.bf16.f32 v52;
	v25 =	vmul.f32 v41, v25  }
0xf1: {  	v21 =	vmul.f32 v24, v21;
	v24 =	vunpack.i.l.bf16.f32 v15;
	v15 =	vunpack.i.u.bf16.f32 v44  }
0xf2: {  	v15 =	vmul.f32 v28, v15;
	v28 =	vunpack.i.l.bf16.f32 v57;
	v24 =	vmul.f32 v38, v24  }
0xf3: {  	v21 =	vadd.f32 v55, v21;
	v19 =	vmul.f32 v19, v28;
	v28 =	vadd.f32 v37, v56  }
0xf4: {  	v31 =	vmul.f32 v31, v59;
	v17 =	vmul.f32 $1.442695020e+00, v17;
	v24 =	vadd.f32 v24, v58  }
0xf5: {  	v5 =	vld [tilespmem:s18+$0xFFFFFFF0];
	v22 =	vunpack.i.u.bf16.f32 v22;
	v21 =	vadd.f32 v30, v21;
	v28 =	vmul.f32 $2.500000000e-01, v28  }
0xf6: {  	v43 =	vpop (erf);
	v23 =	vadd.f32 v23, v25;
	(erf) = vpow2.f32 v17;
	v30 =	vld [tilespmem:s23+$0x20];
	v19 =	vadd.f32 v19, v24  }
0xf7: {  	v14 =	vperm.xlane v43, v1;
	v25 =	vpop (erf);
	v16 =	vadd.f32 v21, v16;
	v21 =	vmul.f32 $1.442695020e+00, v28  }
0xf8: {  	v17 =	vadd.f32 v19, v31;
	v19 =	vadd.f32 v29, v23;
	v23 =	vperm.xlane v25, v1  }
0xf9: {  	v24 =	vunpack.i.u.bf16.f32 v26;
	v26 =	vperm.xlane v16, v3;
	(erf) = vpow2.f32 v21  }
0xfa: {  	s20 =	simm.s32 $0x8CA0;
	v6 =	vunpack.i.l.bf16.f32 v5;
	v21 =	vmul.f32 v22, v24;
	v28 =	vmul.f32 v32, v23  }
0xfb: {  	[tilespmem:s20+$0x90] =	vst v43;
	v22 =	vunpack.i.l.bf16.f32 v30;
	v29 =	vperm.xlane v17, v3;
	v31 =	vadd.f32 v16, v26  }
0xfc: {  	[tilespmem:s20+$0xFFFFFFA0] =	vst v25;
	v27 =	vmul.f32 v27, v23;
	v16 =	vmul.f32 v54, v47;
	v24 =	vadd.f32 v19, v21;
	v26 =	vld [tilespmem:s23+$0xFFFFFFE0]  }
0xfd: {  	v19 =	vmul.f32 v11, v23;
	v11 =	vld [tilespmem:s18+$0xFFFFFFA0];
	[tilespmem:s20+$0xFFFFFF90] =	vst v28;
	v29 =	vadd.f32 v17, v29;
	v21 =	vperm.xlane v31, v4  }
0xfe: {  	v62 =	vmul.f32 v36, v23;
	v23 =	vld [tilespmem:s18+$0xFFFFFFB0];
	[tilespmem:s20+$0xFFFFFF80] =	vst v27;
	v28 =	vunpack.i.u.bf16.f32 v30;
	v61 =	vadd.f32 v60, v16  }
0xff: {  	v17 =	vld [tilespmem:s18+$0x30];
	v25 =	vperm.xlane v24, v3;
	[tilespmem:s20+$0xFFFFFF70] =	vst v19;
	v19 =	vperm.xlane v29, v4;
	v31 =	vadd.f32 v31, v21  }
0x100: {  	s28 =	simm.s32 $0x5140;
	s29 =	simm.s32 $0x6680;
	v63 =	vpop (erf);
	[tilespmem:s20+$0xFFFFFF60] =	vst v62;
	v16 =	vld [tilespmem:s18+$0x60];
	v27 =	vadd.f32 v39, v61;
	v21 =	vmul.f32 v20, v14;
	v20 =	vmul.f32 v18, v14  }
0x101: {  	s19 =	simm.s32 $0x8DE0;
	s26 =	simm.s32 $0x8DE0;
	s23 =	simm.s32 $0x4;
	[tilespmem:s20+$0x40] =	vst v63;
	v30 =	vadd.f32 v29, v19;
	v19 =	vld [tilespmem:s18+$0x70];
	v29 =	vperm.xlane v63, v1;
	v18 =	vmul.f32 $2.500000000e-01, v31  }
.LBB2_5:
0x102: {  	v31 =	vld [tilespmem:s28+$0x0];
	s23 =	sadd.s32 $0x4, s23;
	s26 =	sadd.s32 $0x140, s26;
	v32 =	vunpack.i.l.bf16.f32 v26;
	v12 =	vmul.f32 v12, v14;
	v13 =	vmul.f32 v13, v14;
	v14 =	vpop (erf)  }
0x103: {  	v26 =	vunpack.i.u.bf16.f32 v26;
	v33 =	vld [tilespmem:s29+$0xFFFFFFF0];
	p1 =	slt.u32 s23, $0x4C;
	v30 =	vmul.f32 $2.500000000e-01, v30;
	v34 =	vperm.xlane v14, v1;
	[tilespmem:s20+$0xFFFFFFF0] =	vst v14  }
0x104: {  	v35 =	vmul.f32 $1.442695020e+00, v18;
	v36 =	vmul.f32 v22, v29;
	v14 =	vld [tilespmem:s29+$0x50];
	[tilespmem:s20+$0x60] =	vst v13  }
0x105: {  	v13 =	vld [tilespmem:s28+$0x30];
	v32 =	vmul.f32 v32, v34;
	v26 =	vmul.f32 v26, v34;
	[tilespmem:s20+$0x70] =	vst v21  }
0x106: {  	v37 =	vmul.f32 v7, v34;
	v10 =	vmul.f32 v10, v34;
	v7 =	vmovc v6;
	v22 =	vld [tilespmem:s29+$0x10];
	v18 =	vunpack.i.u.bf16.f32 v19;
	[tilespmem:s20+$0x0] =	vst v36  }
0x107: {  	v30 =	vmul.f32 $1.442695020e+00, v30;
	v34 =	vld [tilespmem:s28+$0xFFFFFFD0];
	v36 =	vunpack.i.u.bf16.f32 v31;
	v31 =	vunpack.i.l.bf16.f32 v31;
	[tilespmem:s20+$0xFFFFFFB0] =	vst v32  }
0x108: {  	v28 =	vmul.f32 v28, v29;
	v21 =	vunpack.i.l.bf16.f32 v23;
	v32 =	vld [tilespmem:s29+$0xFFFFFFD0];
	(erf) = vpow2.f32 v35;
	[tilespmem:s20+$0xFFFFFFD0] =	vst v37  }
0x109: {  	v9 =	vmul.f32 v9, v29;
	v6 =	vunpack.i.l.bf16.f32 v33;
	v35 =	vld [tilespmem:s28+$0x10];
	v37 =	vunpack.i.u.bf16.f32 v14;
	[tilespmem:s20+$0xFFFFFFE0] =	vst v10  }
0x10a: {  	v38 =	vld [tilespmem:s29+$0xFFFFFFC0];
	v39 =	vunpack.i.l.bf16.f32 v13;
	(erf) = vpow2.f32 v30;
	[tilespmem:s20+$0x10] =	vst v28;
	v28 =	vmul.f32 v8, v29  }
0x10b: {  	v24 =	vadd.f32 v24, v25;
	v23 =	vunpack.i.u.bf16.f32 v23;
	v10 =	vunpack.i.u.bf16.f32 v5;
	v5 =	vmovc v33;
	v29 =	vld [tilespmem:s29+$0xFFFFFF90];
	[tilespmem:s20+$0x20] =	vst v9  }
0x10c: {  	v19 =	vunpack.i.l.bf16.f32 v19;
	v8 =	vunpack.i.u.bf16.f32 v17;
	v9 =	vunpack.i.l.bf16.f32 v17;
	v25 =	vld [tilespmem:s28+$0x20];
	[tilespmem:s20+$0xFFFFFFC0] =	vst v26  }
0x10d: {  	v14 =	vunpack.i.l.bf16.f32 v14;
	v26 =	vunpack.i.u.bf16.f32 v13;
	v13 =	vunpack.i.u.bf16.f32 v16;
	v17 =	vld [tilespmem:s29+$0x0];
	[tilespmem:s20+$0x30] =	vst v28  }
0x10e: {  	v15 =	vadd.f32 v27, v15;
	v26 =	vmul.f32 v37, v26;
	v28 =	vld [tilespmem:s29+$0xFFFFFF80];
	v30 =	vunpack.i.l.bf16.f32 v35;
	[tilespmem:s20+$0x50] =	vst v12  }
0x10f: {  	v33 =	vunpack.i.l.bf16.f32 v22;
	v37 =	vunpack.i.l.bf16.f32 v11;
	v12 =	vunpack.i.l.bf16.f32 v16;
	v27 =	vld [tilespmem:s28+$0xFFFFFFC0];
	[tilespmem:s20+$0x80] =	vst v20;
	s20 =	smov.u32 s19;
	s19 =	smov.u32 s26  }
0x110: {  	v20 =	vmul.f32 v33, v30;
	v33 =	vperm.xlane v15, v3;
	v16 =	vunpack.i.l.bf16.f32 v29;
	v30 =	vld [tilespmem:s29+$0x40]  }
0x111: {  	v41 =	vperm.xlane v24, v4;
	v39 =	vmul.f32 v14, v39;
	v40 =	vunpack.i.l.bf16.f32 v32;
	v14 =	vpop (erf)  }
0x112: {  	v44 =	vunpack.i.l.bf16.f32 v25;
	v42 =	vld [tilespmem:s28+$0xFFFFFFE0];
	v43 =	vunpack.i.u.bf16.f32 v17;
	v17 =	vunpack.i.l.bf16.f32 v17;
	[tilespmem:s20+$0x90] =	vst v14  }
0x113: {  	v32 =	vunpack.i.u.bf16.f32 v32;
	v46 =	vunpack.i.l.bf16.f32 v38;
	v33 =	vadd.f32 v15, v33;
	v45 =	vld [tilespmem:s28+$0xFFFFFFF0];
	v47 =	vpop (erf)  }
0x114: {  	v14 =	vperm.xlane v14, v1;
	v17 =	vmul.f32 v17, v31;
	v15 =	vunpack.i.u.bf16.f32 v27;
	[tilespmem:s20+$0xFFFFFFA0] =	vst v47  }
0x115: {  	v24 =	vadd.f32 v24, v41;
	v31 =	vunpack.i.u.bf16.f32 v30;
	v30 =	vunpack.i.l.bf16.f32 v30  }
0x116: {  	v38 =	vunpack.i.u.bf16.f32 v38;
	v41 =	vperm.xlane v33, v4;
	v30 =	vmul.f32 v30, v44  }
0x117: {  	v24 =	vmul.f32 $2.500000000e-01, v24;
	v25 =	vunpack.i.u.bf16.f32 v25;
	v44 =	vunpack.i.u.bf16.f32 v42  }
0x118: {  	v48 =	vunpack.i.u.bf16.f32 v28;
	v25 =	vmul.f32 v31, v25;
	v49 =	vunpack.i.l.bf16.f32 v45  }
0x119: {  	v27 =	vunpack.i.l.bf16.f32 v27;
	v31 =	vunpack.i.u.bf16.f32 v45;
	v40 =	vmul.f32 v40, v49  }
0x11a: {  	v29 =	vunpack.i.u.bf16.f32 v29;
	v28 =	vunpack.i.l.bf16.f32 v28;
	v25 =	vadd.f32 v30, v25  }
0x11b: {  	v42 =	vunpack.i.l.bf16.f32 v42;
	v30 =	vmul.f32 v48, v15;
	v15 =	vmul.f32 v32, v31  }
0x11c: {  	v24 =	vmul.f32 $1.442695020e+00, v24;
	v27 =	vmul.f32 v28, v27;
	v31 =	vunpack.i.l.bf16.f32 v34  }
0x11d: {  	v28 =	vunpack.i.u.bf16.f32 v34;
	v16 =	vmul.f32 v16, v31;
	v31 =	vadd.f32 v33, v41  }
0x11e: {  	v32 =	vmul.f32 v43, v36;
	v27 =	vadd.f32 v27, v30;
	v30 =	vmul.f32 v46, v42  }
0x11f: {  	v28 =	vmul.f32 v29, v28;
	v25 =	vadd.f32 v39, v25;
	v29 =	vmul.f32 $2.500000000e-01, v31;
	v31 =	vld [tilespmem:s18+$0x20]  }
0x120: {  	v17 =	vadd.f32 v17, v32;
	v16 =	vadd.f32 v16, v27;
	v27 =	vunpack.i.u.bf16.f32 v35  }
0x121: {  	v25 =	vadd.f32 v25, v26;
	v26 =	vmul.f32 $1.442695020e+00, v29;
	(erf) = vpow2.f32 v24  }
0x122: {  	v17 =	vadd.f32 v20, v17;
	v20 =	vperm.xlane v47, v1;
	v16 =	vadd.f32 v16, v28  }
0x123: {  	v22 =	vunpack.i.u.bf16.f32 v22;
	v24 =	vperm.xlane v25, v3;
	(erf) = vpow2.f32 v26  }
0x124: {  	v23 =	vmul.f32 v23, v20;
	v26 =	vmul.f32 v22, v27;
	v22 =	vunpack.i.l.bf16.f32 v31  }
0x125: {  	v11 =	vunpack.i.u.bf16.f32 v11;
	v27 =	vperm.xlane v16, v3;
	v28 =	vadd.f32 v25, v24  }
0x126: {  	v25 =	vmul.f32 v38, v44;
	v24 =	vadd.f32 v17, v26;
	v17 =	vmul.f32 v11, v20;
	[tilespmem:s20+$0xFFFFFF90] =	vst v23;
	v26 =	vld [tilespmem:s18+$0xFFFFFFE0];
	s18 =	smov.u32 s29  }
.Ltmp3:
0x127: {  	v21 =	vmul.f32 v21, v20;
	v29 =	vadd.f32 v16, v27;
	v23 =	vperm.xlane v28, v4;
	v11 =	vld [tilespmem:s29+$0xFFFFFFA0];
	(pc) =	sbr.rel @p1 .LBB2_5-.Ltmp3, $4  }
0x128: {  	v27 =	vadd.f32 v30, v25;
	v20 =	vmul.f32 v37, v20;
	v25 =	vperm.xlane v24, v3;
	v16 =	vld [tilespmem:s29+$0x60];
	[tilespmem:s20+$0xFFFFFF70] =	vst v17  }
0x129: {  	v30 =	vperm.xlane v29, v4;
	v32 =	vadd.f32 v28, v23;
	v28 =	vunpack.i.u.bf16.f32 v31;
	v17 =	vld [tilespmem:s29+$0x30];
	[tilespmem:s20+$0xFFFFFF80] =	vst v21  }
0x12a: {  	v27 =	vadd.f32 v40, v27;
	v21 =	vmul.f32 v19, v14;
	v23 =	vld [tilespmem:s29+$0xFFFFFFB0];
	[tilespmem:s20+$0xFFFFFF60] =	vst v20;
	v20 =	vmul.f32 v18, v14;
	v31 =	vpop (erf)  }
0x12b: {  	s28 =	sadd.s32 $0x80, s28;
	v30 =	vadd.f32 v29, v30;
	v18 =	vmul.f32 $2.500000000e-01, v32;
	s29 =	sadd.s32 $0x100, s29;
	v19 =	vld [tilespmem:s18+$0x70];
	v29 =	vperm.xlane v31, v1;
	[tilespmem:s20+$0x40] =	vst v31  }
0x12c: {  	_ = 	snop  }
0x12d: {  	v15 =	vadd.f32 v27, v15;
	v13 =	vmul.f32 v13, v14;
	v63 =	vpop (erf);
	v62 =	vmul.f32 $2.500000000e-01, v30  }
0x12e: {  	v24 =	vadd.f32 v24, v25;
	v18 =	vmul.f32 $1.442695020e+00, v18;
	v32 =	vperm.xlane v63, v1  }
0x12f: {  	v31 =	vperm.xlane v15, v3;
	v27 =	vmul.f32 $1.442695020e+00, v62  }
0x130: {  	[tilespmem:s20+$0x70] =	vst v21;
	v34 =	vperm.xlane v24, v4;
	(erf) = vpow2.f32 v18  }
0x131: {  	[tilespmem:s20+$0x80] =	vst v20;
	v15 =	vadd.f32 v15, v31;
	(erf) = vpow2.f32 v27  }
0x132: {  	[tilespmem:s20+$0x60] =	vst v13;
	v7 =	vmul.f32 v7, v32;
	v13 =	vadd.f32 v24, v34  }
0x133: {  	v40 =	vmul.f32 v12, v14;
	[tilespmem:s20+$0xFFFFFFF0] =	vst v63;
	v35 =	vperm.xlane v15, v4  }
0x134: {  	[tilespmem:s20+$0xFFFFFFD0] =	vst v7;
	v7 =	vmul.f32 v28, v29;
	v13 =	vmul.f32 $2.500000000e-01, v13  }
0x135: {  	v22 =	vmul.f32 v22, v29;
	[tilespmem:s20+$0x50] =	vst v40;
	v15 =	vadd.f32 v15, v35  }
0x136: {  	v9 =	vmul.f32 v9, v29;
	[tilespmem:s20+$0x10] =	vst v7;
	v7 =	vmul.f32 $1.442695020e+00, v13  }
0x137: {  	v33 =	vunpack.i.l.bf16.f32 v26;
	v8 =	vmul.f32 v8, v29;
	[tilespmem:s20+$0x0] =	vst v22;
	v37 =	vmul.f32 $2.500000000e-01, v15  }
0x138: {  	v18 =	vmul.f32 v33, v32;
	v10 =	vmul.f32 v10, v32;
	[tilespmem:s20+$0x20] =	vst v9  }
0x139: {  	v36 =	vunpack.i.u.bf16.f32 v26;
	[tilespmem:s20+$0x30] =	vst v8;
	v39 =	vmul.f32 $1.442695020e+00, v37;
	v41 =	vpop (erf);
	(erf) = vpow2.f32 v7  }
0x13a: {  	v38 =	vmul.f32 v36, v32;
	[tilespmem:s20+$0xFFFFFFB0] =	vst v18;
	v7 =	vpop (erf)  }
0x13b: {  	[tilespmem:s20+$0xFFFFFFE0] =	vst v10;
	(erf) = vpow2.f32 v39;
	v42 =	vperm.xlane v7, v1  }
0x13c: {  	v43 =	vunpack.i.u.bf16.f32 v23;
	[tilespmem:s20+$0xFFFFFFC0] =	vst v38  }
0x13d: {  	v44 =	vunpack.i.u.bf16.f32 v11;
	[tilespmem:s19+$0x90] =	vst v41;
	v9 =	vmul.f32 v43, v42  }
0x13e: {  	v45 =	vunpack.i.l.bf16.f32 v23;
	[tilespmem:s19+$0xFFFFFFA0] =	vst v7;
	v7 =	vmul.f32 v44, v42  }
0x13f: {  	v46 =	vunpack.i.l.bf16.f32 v11;
	v47 =	vld [tilespmem:s18+$0x20];
	v48 =	vmul.f32 v45, v42;
	[tilespmem:s19+$0xFFFFFF90] =	vst v9  }
0x140: {  	v8 =	vmul.f32 v46, v42;
	[tilespmem:s19+$0xFFFFFF70] =	vst v7;
	v7 =	vperm.xlane v41, v1  }
0x141: {  	v49 =	vld [tilespmem:s18+$0xFFFFFFE0];
	v50 =	vunpack.i.u.bf16.f32 v16;
	[tilespmem:s19+$0xFFFFFF80] =	vst v48  }
0x142: {  	v52 =	vunpack.i.l.bf16.f32 v19;
	[tilespmem:s19+$0xFFFFFF60] =	vst v8;
	v51 =	vpop (erf);
	v54 =	vmul.f32 v50, v7  }
0x143: {  	v10 =	vmul.f32 v52, v7;
	v53 =	vperm.xlane v51, v1;
	[tilespmem:s19+$0x40] =	vst v51  }
0x144: {  	v56 =	vunpack.i.l.bf16.f32 v47;
	v55 =	vpop (erf);
	[tilespmem:s19+$0x60] =	vst v54  }
0x145: {  	v63 =	vunpack.i.u.bf16.f32 v17;
	[tilespmem:s19+$0x70] =	vst v10;
	v57 =	vperm.xlane v55, v1;
	v14 =	vmul.f32 v56, v53  }
0x146: {  	v58 =	vunpack.i.l.bf16.f32 v49;
	[tilespmem:s19+$0xFFFFFFF0] =	vst v55;
	v8 =	vmul.f32 v63, v53  }
0x147: {  	v59 =	vmul.f32 v58, v57;
	[tilespmem:s19+$0x0] =	vst v14  }
0x148: {  	v5 =	vunpack.i.u.bf16.f32 v5;
	v6 =	vmul.f32 v6, v57;
	[tilespmem:s19+$0x30] =	vst v8  }
0x149: {  	v60 =	vunpack.i.u.bf16.f32 v47;
	v5 =	vmul.f32 v5, v57;
	[tilespmem:s19+$0xFFFFFFB0] =	vst v59  }
0x14a: {  	v61 =	vunpack.i.l.bf16.f32 v17;
	[tilespmem:s19+$0xFFFFFFD0] =	vst v6;
	v6 =	vmul.f32 v60, v53  }
0x14b: {  	v62 =	vunpack.i.u.bf16.f32 v49;
	[tilespmem:s19+$0xFFFFFFE0] =	vst v5;
	v5 =	vmul.f32 v61, v53  }
0x14c: {  	v9 =	vmul.f32 v62, v57;
	[tilespmem:s19+$0x10] =	vst v6;
	v6 =	vunpack.i.l.bf16.f32 v16  }
0x14d: {  	[tilespmem:s19+$0x20] =	vst v5;
	v5 =	vunpack.i.u.bf16.f32 v19;
	v6 =	vmul.f32 v6, v7  }
0x14e: {  	[tilespmem:s19+$0xFFFFFFC0] =	vst v9;
	v5 =	vmul.f32 v5, v7  }
0x14f: {  	s13 =	sadd.s32 $0x2, s13;
	[tilespmem:s19+$0x50] =	vst v6  }
0x150: {  	s28 =	smulhi.u32 $0x10624DD3, s13;
	[tilespmem:s19+$0x80] =	vst v5  }
0x151: {  	v5 =	vld [tilespmem:$0x4E20]  }
0x152: {  	s18 =	sshrl.u32 s28, $0x3;
	v6 =	vld [tilespmem:$0x4E30]  }
0x153: {  	s29 =	smul.u32 $0x7D, s18;
	v7 =	vld [tilespmem:$0x4E40]  }
0x154: {  	v8 =	vld [tilespmem:$0x4E50]  }
0x155: {  	p1 =	seq.s32 s24, $0x7C;
	s13 =	ssub.s32 s13, s29;
	v9 =	vld [tilespmem:$0x4E60]  }
0x156: {  	p2 =	sne.s32 @!p1 s13, $0x0;
	v5 =	vsub.s32 v5, v0  }
0x157: {  	p2 =	por p1, p2;
	[tilespmem:$0x4F60] =	vst v5;
	v5 =	vsub.s32 v6, v0  }
.Ltmp4:
0x158: {  	[tilespmem:$0x4F70] =	vst v5;
	v5 =	vsub.s32 v7, v0;
	(pc) =	sbr.rel @p2 .LBB2_8-.Ltmp4, $4  }
0x159: {  	[tilespmem:$0x4F80] =	vst v5;
	v5 =	vsub.s32 v8, v0  }
0x15a: {  	[tilespmem:$0x4F90] =	vst v5;
	v5 =	vsub.s32 v9, v0  }
0x15b: {  	[tilespmem:$0x4FA0] =	vst v5  }
0x15c: {  	[spmem:s1] =	stream.indirect.scatter.add.f32 [tilespmem:s21], [sflag:$0x5], $0x50, s12, s25, $0xb8;
	[tilespmem:$0x18600] =	vst v63  }
0x15d: {  	s18 =	smul.u32 $0x2710, s18;
	_ =	sdelay $0x1  }
0x15e: {  	s18 =	sadd.s32 s7, s18  }
0x15f: {  	s18 =	sshrl.u32 s18, $0x3  }
0x160: {  	s19 =	sadd.s32 s6, s18  }
0x161: {  	[tilespmem:s3], [sflag:$0x7] =	stream.linear.gather [hbm4b:s19+s3], $0x2710, $0x38;
	[tilespmem:$0x18600] =	vst v63  }
0x162: {  	_ =	swait.ge [sflag:s22], $0x2710  }
0x163: {  	[sflag:s22] =	ssyncset.done $0x0  }
0x164: {  	s29 =	simm.s32 $0x2710;
	s18 =	sadd.s32 s8, s18;
	[sflag:s22] =	ssyncadd.s32 $0xFFFFD8F0  }
0x165: {  	[tilespmem:s29], [sflag:$0x7] =	stream.linear.gather [hbm4b:s18+s3], $0x2710, $0x38;
	[tilespmem:$0x18600] =	vst v63  }
0x166: {  	_ =	swait.ge [sflag:s22], $0x2710  }
0x167: {  	[sflag:s22] =	ssyncset.done $0x0  }
0x168: {  	[sflag:s22] =	ssyncadd.s32 $0xFFFFD8F0  }
.LBB2_9:
0x169: {  	s13 =	smul.u32 $0x50, s13;
	_ =	sdelay $0x1  }
0x16a: {  	v5 =	vld [tilespmem:s13+$0x0];
	_ =	sdelay $0x4  }
0x16b: {  	v5 =	vadd.s32 v0, v5  }
0x16c: {  	[tilespmem:$0x4E20] =	vst v5  }
0x16d: {  	v5 =	vld [tilespmem:s13+$0x2710];
	_ =	sdelay $0x4  }
0x16e: {  	v5 =	vadd.s32 v0, v5  }
0x16f: {  	[tilespmem:$0x4EC0] =	vst v5  }
0x170: {  	v5 =	vld [tilespmem:s13+$0x10];
	_ =	sdelay $0x4  }
0x171: {  	v5 =	vadd.s32 v0, v5  }
0x172: {  	[tilespmem:$0x4E30] =	vst v5  }
0x173: {  	v5 =	vld [tilespmem:s13+$0x2720];
	_ =	sdelay $0x4  }
0x174: {  	v5 =	vadd.s32 v0, v5  }
0x175: {  	[tilespmem:$0x4ED0] =	vst v5  }
0x176: {  	v5 =	vld [tilespmem:s13+$0x20];
	_ =	sdelay $0x4  }
0x177: {  	v5 =	vadd.s32 v0, v5  }
0x178: {  	[tilespmem:$0x4E40] =	vst v5  }
0x179: {  	v5 =	vld [tilespmem:s13+$0x2730];
	_ =	sdelay $0x4  }
0x17a: {  	v5 =	vadd.s32 v0, v5  }
0x17b: {  	[tilespmem:$0x4EE0] =	vst v5  }
0x17c: {  	v5 =	vld [tilespmem:s13+$0x30];
	_ =	sdelay $0x4  }
0x17d: {  	v5 =	vadd.s32 v0, v5  }
0x17e: {  	[tilespmem:$0x4E50] =	vst v5  }
0x17f: {  	v5 =	vld [tilespmem:s13+$0x2740];
	_ =	sdelay $0x4  }
0x180: {  	v5 =	vadd.s32 v0, v5  }
0x181: {  	[tilespmem:$0x4EF0] =	vst v5  }
0x182: {  	v5 =	vld [tilespmem:s13+$0x40];
	_ =	sdelay $0x4  }
0x183: {  	v5 =	vadd.s32 v0, v5  }
0x184: {  	[tilespmem:$0x4E60] =	vst v5  }
0x185: {  	v5 =	vld [tilespmem:s13+$0x2750];
	_ =	sdelay $0x4  }
0x186: {  	v5 =	vadd.s32 v0, v5  }
0x187: {  	s28 =	simm.s32 $0x4E20;
	s18 =	simm.s32 $0x5000;
	[tilespmem:$0x4F00] =	vst v5  }
0x188: {  	[tilespmem:s18], [sflag:$0x1] =	stream.indirect.gather [hbm4b:s4+s25], $0x20, s28, s25, $0xb8;
	[tilespmem:$0x18600] =	vst v63  }
0x189: {  	s29 =	simm.s32 $0x4EC0  }
0x18a: {  	[tilespmem:s30], [sflag:$0x3] =	stream.indirect.gather [hbm4b:s5+s25], $0x40, s29, s25, $0xb8;
	[tilespmem:$0x18600] =	vst v63  }
.LBB2_10:
0x18b: {  	_ =	swait.ge [sflag:s14], $0xA00  }
0x18c: {  	[sflag:s14] =	ssyncset.done $0x0  }
0x18d: {  	[sflag:s14] =	ssyncadd.s32 $0xFFFFF600  }
0x18e: {  	_ =	swait.ge [sflag:s15], $0x1400  }
0x18f: {  	[sflag:s15] =	ssyncset.done $0x0  }
0x190: {  	s13 =	simm.s32 @!p0 $0x6;
	[sflag:s15] =	ssyncadd.s32 $0xFFFFEC00  }
0x191: {  	_ =	swait.ge @!p0 [sflag:s13], $0x1900  }
0x192: {  	[sflag:s13] =	ssyncset.done @!p0 $0x0  }
0x193: {  	s29 =	simm.s32 $0x5A40;
	[sflag:s13] =	ssyncadd.s32 @!p0 $0xFFFFE700  }
0x194: {  	s18 =	simm.s32 $0x7880;
	v5 =	vld [tilespmem:s29+$0x0]  }
0x195: {  	v6 =	vld [tilespmem:s18+$0x50]  }
0x196: {  	v7 =	vld [tilespmem:s29+$0x30]  }
0x197: {  	v9 =	vld [tilespmem:s29+$0x10]  }
0x198: {  	v10 =	vld [tilespmem:s29+$0x20]  }
0x199: {  	v11 =	vld [tilespmem:s29+$0xFFFFFFC0]  }
0x19a: {  	v12 =	vld [tilespmem:s18+$0x40]  }
0x19b: {  	s19 =	simm.s32 $0x5AC0;
	v17 =	vld [tilespmem:s18+$0xFFFFFF90]  }
0x19c: {  	s13 =	simm.s32 $0x7980;
	v26 =	vld [tilespmem:s19+$0x10]  }
0x19d: {  	v28 =	vld [tilespmem:s13+$0xFFFFFFD0]  }
0x19e: {  	v34 =	vld [tilespmem:s13+$0xFFFFFFC0];
	v13 =	vunpack.i.u.bf16.f32 v5  }
0x19f: {  	v38 =	vld [tilespmem:s13+$0xFFFFFF80];
	v5 =	vunpack.i.l.bf16.f32 v5;
	v15 =	vunpack.i.u.bf16.f32 v6;
	v16 =	vunpack.i.l.bf16.f32 v7  }
0x1a0: {  	v40 =	vld [tilespmem:s19+$0xFFFFFFE0];
	v7 =	vunpack.i.u.bf16.f32 v7;
	v6 =	vunpack.i.l.bf16.f32 v6;
	v18 =	vunpack.i.l.bf16.f32 v9  }
0x1a1: {  	v44 =	vld [tilespmem:s19+$0xFFFFFFF0];
	v20 =	vunpack.i.l.bf16.f32 v10;
	v21 =	vunpack.i.u.bf16.f32 v11;
	v22 =	vunpack.i.u.bf16.f32 v12  }
0x1a2: {  	v57 =	vld [tilespmem:s19+$0xFFFFFFD0];
	v12 =	vunpack.i.l.bf16.f32 v12;
	v10 =	vunpack.i.u.bf16.f32 v10;
	v11 =	vunpack.i.l.bf16.f32 v11  }
0x1a3: {  	v8 =	vld [tilespmem:s18+$0x10];
	v24 =	vunpack.i.l.bf16.f32 v17;
	v17 =	vunpack.i.u.bf16.f32 v17;
	v9 =	vunpack.i.u.bf16.f32 v9  }
0x1a4: {  	v14 =	vld [tilespmem:s18+$0xFFFFFF80];
	v35 =	vunpack.i.l.bf16.f32 v26;
	v39 =	vunpack.i.l.bf16.f32 v28;
	v45 =	vunpack.i.l.bf16.f32 v34  }
0x1a5: {  	v28 =	vunpack.i.u.bf16.f32 v28;
	v54 =	vunpack.i.u.bf16.f32 v34;
	v47 =	vunpack.i.u.bf16.f32 v40  }
0x1a6: {  	v48 =	vunpack.i.u.bf16.f32 v38;
	v49 =	vunpack.i.l.bf16.f32 v44;
	v38 =	vunpack.i.l.bf16.f32 v38  }
0x1a7: {  	v19 =	vld [tilespmem:s29+$0xFFFFFFD0];
	v40 =	vunpack.i.l.bf16.f32 v40;
	v59 =	vunpack.i.u.bf16.f32 v57;
	v7 =	vmul.f32 v15, v7  }
0x1a8: {  	v15 =	vunpack.i.l.bf16.f32 v8;
	v12 =	vmul.f32 v12, v20;
	v10 =	vmul.f32 v22, v10  }
0x1a9: {  	v23 =	vld [tilespmem:s18+$0xFFFFFFD0];
	v20 =	vunpack.i.u.bf16.f32 v14;
	v6 =	vmul.f32 v6, v16;
	v39 =	vmul.f32 v39, v49  }
0x1aa: {  	v14 =	vunpack.i.l.bf16.f32 v14;
	v22 =	vld [tilespmem:s18+$0x0];
	v60 =	vmul.f32 v45, v40;
	v20 =	vmul.f32 v20, v21  }
0x1ab: {  	v8 =	vunpack.i.u.bf16.f32 v8;
	v11 =	vmul.f32 v14, v11;
	v14 =	vld [tilespmem:s18+$0xFFFFFFC0];
	v15 =	vmul.f32 v15, v18  }
0x1ac: {  	v16 =	vld [tilespmem:s29+$0xFFFFFFE0];
	v18 =	vunpack.i.u.bf16.f32 v19;
	v10 =	vadd.f32 v12, v10;
	v12 =	vunpack.i.l.bf16.f32 v19  }
0x1ad: {  	v8 =	vmul.f32 v8, v9;
	v12 =	vmul.f32 v24, v12;
	v11 =	vadd.f32 v11, v20  }
0x1ae: {  	v19 =	vld [tilespmem:s29+$0xFFFFFFF0];
	v17 =	vmul.f32 v17, v18;
	v20 =	vunpack.i.u.bf16.f32 v23;
	v6 =	vadd.f32 v6, v10  }
0x1af: {  	v10 =	vunpack.i.l.bf16.f32 v23;
	v11 =	vadd.f32 v12, v11;
	v12 =	vunpack.i.u.bf16.f32 v22  }
0x1b0: {  	v24 =	vld [tilespmem:s19+$0x0];
	v18 =	vunpack.i.l.bf16.f32 v22;
	v6 =	vadd.f32 v6, v7;
	v7 =	vunpack.i.l.bf16.f32 v14  }
0x1b1: {  	v21 =	vld [tilespmem:s18+$0xFFFFFFF0];
	v5 =	vmul.f32 v18, v5;
	v14 =	vunpack.i.u.bf16.f32 v14;
	v18 =	vunpack.i.u.bf16.f32 v16  }
0x1b2: {  	v23 =	vld [tilespmem:s18+$0x70];
	v12 =	vmul.f32 v12, v13;
	v16 =	vunpack.i.l.bf16.f32 v16;
	v17 =	vadd.f32 v11, v17  }
0x1b3: {  	v22 =	vunpack.i.l.bf16.f32 v19;
	v19 =	vunpack.i.u.bf16.f32 v19;
	v7 =	vmul.f32 v7, v16  }
0x1b4: {  	v14 =	vmul.f32 v14, v18;
	v11 =	vperm.xlane v6, v3;
	v5 =	vadd.f32 v5, v12  }
0x1b5: {  	v16 =	vld [tilespmem:s19+$0x30];
	v10 =	vmul.f32 v10, v22;
	v25 =	vunpack.i.u.bf16.f32 v24;
	v24 =	vunpack.i.l.bf16.f32 v24  }
0x1b6: {  	v13 =	vperm.xlane v17, v3;
	v14 =	vadd.f32 v7, v14;
	v7 =	vunpack.i.l.bf16.f32 v21  }
0x1b7: {  	v18 =	vunpack.i.u.bf16.f32 v23;
	v6 =	vadd.f32 v6, v11;
	v11 =	vld [tilespmem:s18+$0xFFFFFFA0];
	v15 =	vadd.f32 v15, v5  }
0x1b8: {  	v12 =	vadd.f32 v17, v13;
	v13 =	vld [tilespmem:s18+$0xFFFFFFB0];
	v14 =	vadd.f32 v10, v14;
	v10 =	vunpack.i.u.bf16.f32 v21  }
0x1b9: {  	v21 =	vld [tilespmem:s19+$0x20];
	v17 =	vperm.xlane v6, v4;
	v8 =	vadd.f32 v15, v8;
	v15 =	vmul.f32 v20, v19  }
0x1ba: {  	v20 =	vld [tilespmem:s18+$0x30];
	v30 =	vunpack.i.l.bf16.f32 v16;
	v16 =	vunpack.i.u.bf16.f32 v16;
	v9 =	vperm.xlane v12, v4  }
0x1bb: {  	v19 =	vld [tilespmem:s18+$0x60];
	v6 =	vadd.f32 v6, v17;
	v17 =	vperm.xlane v8, v3;
	v14 =	vadd.f32 v14, v15  }
0x1bc: {  	v15 =	vld [tilespmem:s19+$0xFFFFFFC0];
	v9 =	vadd.f32 v12, v9;
	v36 =	vunpack.i.l.bf16.f32 v11;
	v11 =	vunpack.i.u.bf16.f32 v11  }
0x1bd: {  	v12 =	vld [tilespmem:s13+$0x50];
	v6 =	vmul.f32 $2.500000000e-01, v6;
	v27 =	vunpack.i.l.bf16.f32 v13;
	v32 =	vunpack.i.u.bf16.f32 v13  }
0x1be: {  	v17 =	vadd.f32 v8, v17;
	v37 =	vperm.xlane v14, v3;
	v42 =	vunpack.i.l.bf16.f32 v21  }
0x1bf: {  	v31 =	vld [tilespmem:s13+$0xFFFFFF90];
	v21 =	vunpack.i.u.bf16.f32 v21;
	v9 =	vmul.f32 $2.500000000e-01, v9;
	v8 =	vunpack.i.u.bf16.f32 v20  }
0x1c0: {  	v13 =	vunpack.i.u.bf16.f32 v19;
	v6 =	vmul.f32 $1.442695020e+00, v6;
	v53 =	vperm.xlane v17, v4  }
0x1c1: {  	v22 =	vld [tilespmem:s13+$0x10];
	v37 =	vadd.f32 v14, v37;
	v9 =	vmul.f32 $1.442695020e+00, v9;
	v46 =	vunpack.i.u.bf16.f32 v15  }
0x1c2: {  	v52 =	vld [tilespmem:s13+$0x40];
	(erf) = vpow2.f32 v6;
	v29 =	vunpack.i.u.bf16.f32 v12;
	v33 =	vunpack.i.l.bf16.f32 v12  }
0x1c3: {  	(erf) = vpow2.f32 v9;
	v9 =	vunpack.i.l.bf16.f32 v20;
	v20 =	vunpack.i.l.bf16.f32 v23;
	v23 =	vld [tilespmem:s13+$0x0]  }
0x1c4: {  	v12 =	vunpack.i.l.bf16.f32 v19;
	v19 =	vunpack.i.l.bf16.f32 v31;
	v17 =	vadd.f32 v17, v53  }
0x1c5: {  	v56 =	vperm.xlane v37, v4;
	v31 =	vunpack.i.u.bf16.f32 v31;
	v58 =	vmul.f32 v48, v46  }
0x1c6: {  	v16 =	vmul.f32 v29, v16;
	v29 =	vunpack.i.l.bf16.f32 v22;
	v30 =	vmul.f32 v33, v30  }
0x1c7: {  	v29 =	vmul.f32 v29, v35;
	v35 =	vunpack.i.l.bf16.f32 v52;
	v17 =	vmul.f32 $2.500000000e-01, v17  }
0x1c8: {  	v55 =	vmul.f32 v35, v42;
	v41 =	vunpack.i.u.bf16.f32 v23;
	v23 =	vunpack.i.l.bf16.f32 v23  }
0x1c9: {  	v23 =	vmul.f32 v23, v24;
	v24 =	vunpack.i.u.bf16.f32 v52;
	v25 =	vmul.f32 v41, v25  }
0x1ca: {  	v21 =	vmul.f32 v24, v21;
	v24 =	vunpack.i.l.bf16.f32 v15;
	v15 =	vunpack.i.u.bf16.f32 v44  }
0x1cb: {  	v15 =	vmul.f32 v28, v15;
	v28 =	vunpack.i.l.bf16.f32 v57;
	v24 =	vmul.f32 v38, v24  }
0x1cc: {  	v21 =	vadd.f32 v55, v21;
	v19 =	vmul.f32 v19, v28;
	v28 =	vadd.f32 v37, v56  }
0x1cd: {  	v31 =	vmul.f32 v31, v59;
	v17 =	vmul.f32 $1.442695020e+00, v17;
	v24 =	vadd.f32 v24, v58  }
0x1ce: {  	v5 =	vld [tilespmem:s13+$0xFFFFFFF0];
	v22 =	vunpack.i.u.bf16.f32 v22;
	v21 =	vadd.f32 v30, v21;
	v28 =	vmul.f32 $2.500000000e-01, v28  }
0x1cf: {  	v43 =	vpop (erf);
	v23 =	vadd.f32 v23, v25;
	(erf) = vpow2.f32 v17;
	v30 =	vld [tilespmem:s18+$0x20];
	v19 =	vadd.f32 v19, v24  }
0x1d0: {  	v14 =	vperm.xlane v43, v1;
	v25 =	vpop (erf);
	v16 =	vadd.f32 v21, v16;
	v21 =	vmul.f32 $1.442695020e+00, v28  }
0x1d1: {  	v17 =	vadd.f32 v19, v31;
	v19 =	vadd.f32 v29, v23;
	v23 =	vperm.xlane v25, v1  }
0x1d2: {  	v24 =	vunpack.i.u.bf16.f32 v26;
	v26 =	vperm.xlane v16, v3;
	(erf) = vpow2.f32 v21  }
0x1d3: {  	s19 =	simm.s32 $0xA5A0;
	v6 =	vunpack.i.l.bf16.f32 v5;
	v21 =	vmul.f32 v22, v24;
	v28 =	vmul.f32 v32, v23  }
0x1d4: {  	[tilespmem:s19+$0x90] =	vst v43;
	v22 =	vunpack.i.l.bf16.f32 v30;
	v29 =	vperm.xlane v17, v3;
	v31 =	vadd.f32 v16, v26  }
0x1d5: {  	[tilespmem:s19+$0xFFFFFFA0] =	vst v25;
	v27 =	vmul.f32 v27, v23;
	v16 =	vmul.f32 v54, v47;
	v24 =	vadd.f32 v19, v21;
	v26 =	vld [tilespmem:s18+$0xFFFFFFE0]  }
0x1d6: {  	v19 =	vmul.f32 v11, v23;
	v11 =	vld [tilespmem:s13+$0xFFFFFFA0];
	[tilespmem:s19+$0xFFFFFF90] =	vst v28;
	v29 =	vadd.f32 v17, v29;
	v21 =	vperm.xlane v31, v4  }
0x1d7: {  	v62 =	vmul.f32 v36, v23;
	v23 =	vld [tilespmem:s13+$0xFFFFFFB0];
	[tilespmem:s19+$0xFFFFFF80] =	vst v27;
	v28 =	vunpack.i.u.bf16.f32 v30;
	v61 =	vadd.f32 v60, v16  }
0x1d8: {  	v17 =	vld [tilespmem:s13+$0x30];
	v25 =	vperm.xlane v24, v3;
	[tilespmem:s19+$0xFFFFFF70] =	vst v19;
	v19 =	vperm.xlane v29, v4;
	v31 =	vadd.f32 v31, v21  }
0x1d9: {  	s20 =	simm.s32 $0x4;
	s23 =	simm.s32 $0xA6E0;
	v63 =	vpop (erf);
	[tilespmem:s19+$0xFFFFFF60] =	vst v62;
	v16 =	vld [tilespmem:s13+$0x60];
	v27 =	vadd.f32 v39, v61;
	v21 =	vmul.f32 v20, v14;
	v20 =	vmul.f32 v18, v14  }
0x1da: {  	s26 =	simm.s32 $0x5B40;
	s28 =	simm.s32 $0x7A80;
	s18 =	simm.s32 $0xA6E0;
	[tilespmem:s19+$0x40] =	vst v63;
	v30 =	vadd.f32 v29, v19;
	v19 =	vld [tilespmem:s13+$0x70];
	v29 =	vperm.xlane v63, v1;
	v18 =	vmul.f32 $2.500000000e-01, v31  }
.LBB2_11:
0x1db: {  	v31 =	vld [tilespmem:s26+$0x0];
	s20 =	sadd.s32 $0x4, s20;
	s23 =	sadd.s32 $0x140, s23;
	v32 =	vunpack.i.l.bf16.f32 v26;
	v12 =	vmul.f32 v12, v14;
	v13 =	vmul.f32 v13, v14;
	v14 =	vpop (erf)  }
0x1dc: {  	v26 =	vunpack.i.u.bf16.f32 v26;
	v33 =	vld [tilespmem:s28+$0xFFFFFFF0];
	p0 =	slt.u32 s20, $0x4C;
	v30 =	vmul.f32 $2.500000000e-01, v30;
	v34 =	vperm.xlane v14, v1;
	[tilespmem:s19+$0xFFFFFFF0] =	vst v14  }
0x1dd: {  	v35 =	vmul.f32 $1.442695020e+00, v18;
	v36 =	vmul.f32 v22, v29;
	v14 =	vld [tilespmem:s28+$0x50];
	[tilespmem:s19+$0x60] =	vst v13  }
0x1de: {  	v13 =	vld [tilespmem:s26+$0x30];
	v32 =	vmul.f32 v32, v34;
	v26 =	vmul.f32 v26, v34;
	[tilespmem:s19+$0x70] =	vst v21  }
0x1df: {  	v37 =	vmul.f32 v7, v34;
	v10 =	vmul.f32 v10, v34;
	v7 =	vmovc v6;
	v22 =	vld [tilespmem:s28+$0x10];
	v18 =	vunpack.i.u.bf16.f32 v19;
	[tilespmem:s19+$0x0] =	vst v36  }
0x1e0: {  	v30 =	vmul.f32 $1.442695020e+00, v30;
	v34 =	vld [tilespmem:s26+$0xFFFFFFD0];
	v36 =	vunpack.i.u.bf16.f32 v31;
	v31 =	vunpack.i.l.bf16.f32 v31;
	[tilespmem:s19+$0xFFFFFFB0] =	vst v32  }
0x1e1: {  	v28 =	vmul.f32 v28, v29;
	v21 =	vunpack.i.l.bf16.f32 v23;
	v32 =	vld [tilespmem:s28+$0xFFFFFFD0];
	(erf) = vpow2.f32 v35;
	[tilespmem:s19+$0xFFFFFFD0] =	vst v37  }
0x1e2: {  	v9 =	vmul.f32 v9, v29;
	v6 =	vunpack.i.l.bf16.f32 v33;
	v35 =	vld [tilespmem:s26+$0x10];
	v37 =	vunpack.i.u.bf16.f32 v14;
	[tilespmem:s19+$0xFFFFFFE0] =	vst v10  }
0x1e3: {  	v38 =	vld [tilespmem:s28+$0xFFFFFFC0];
	v39 =	vunpack.i.l.bf16.f32 v13;
	(erf) = vpow2.f32 v30;
	[tilespmem:s19+$0x10] =	vst v28;
	v28 =	vmul.f32 v8, v29  }
0x1e4: {  	v24 =	vadd.f32 v24, v25;
	v23 =	vunpack.i.u.bf16.f32 v23;
	v10 =	vunpack.i.u.bf16.f32 v5;
	v5 =	vmovc v33;
	v29 =	vld [tilespmem:s28+$0xFFFFFF90];
	[tilespmem:s19+$0x20] =	vst v9  }
0x1e5: {  	v19 =	vunpack.i.l.bf16.f32 v19;
	v8 =	vunpack.i.u.bf16.f32 v17;
	v9 =	vunpack.i.l.bf16.f32 v17;
	v25 =	vld [tilespmem:s26+$0x20];
	[tilespmem:s19+$0xFFFFFFC0] =	vst v26  }
0x1e6: {  	v14 =	vunpack.i.l.bf16.f32 v14;
	v26 =	vunpack.i.u.bf16.f32 v13;
	v13 =	vunpack.i.u.bf16.f32 v16;
	v17 =	vld [tilespmem:s28+$0x0];
	[tilespmem:s19+$0x30] =	vst v28  }
0x1e7: {  	v15 =	vadd.f32 v27, v15;
	v26 =	vmul.f32 v37, v26;
	v28 =	vld [tilespmem:s28+$0xFFFFFF80];
	v30 =	vunpack.i.l.bf16.f32 v35;
	[tilespmem:s19+$0x50] =	vst v12  }
0x1e8: {  	v33 =	vunpack.i.l.bf16.f32 v22;
	v37 =	vunpack.i.l.bf16.f32 v11;
	v12 =	vunpack.i.l.bf16.f32 v16;
	v27 =	vld [tilespmem:s26+$0xFFFFFFC0];
	[tilespmem:s19+$0x80] =	vst v20;
	s19 =	smov.u32 s18;
	s18 =	smov.u32 s23  }
0x1e9: {  	v20 =	vmul.f32 v33, v30;
	v33 =	vperm.xlane v15, v3;
	v16 =	vunpack.i.l.bf16.f32 v29;
	v30 =	vld [tilespmem:s28+$0x40]  }
0x1ea: {  	v41 =	vperm.xlane v24, v4;
	v39 =	vmul.f32 v14, v39;
	v40 =	vunpack.i.l.bf16.f32 v32;
	v14 =	vpop (erf)  }
0x1eb: {  	v44 =	vunpack.i.l.bf16.f32 v25;
	v42 =	vld [tilespmem:s26+$0xFFFFFFE0];
	v43 =	vunpack.i.u.bf16.f32 v17;
	v17 =	vunpack.i.l.bf16.f32 v17;
	[tilespmem:s19+$0x90] =	vst v14  }
0x1ec: {  	v32 =	vunpack.i.u.bf16.f32 v32;
	v46 =	vunpack.i.l.bf16.f32 v38;
	v33 =	vadd.f32 v15, v33;
	v45 =	vld [tilespmem:s26+$0xFFFFFFF0];
	v47 =	vpop (erf)  }
0x1ed: {  	v14 =	vperm.xlane v14, v1;
	v17 =	vmul.f32 v17, v31;
	v15 =	vunpack.i.u.bf16.f32 v27;
	[tilespmem:s19+$0xFFFFFFA0] =	vst v47  }
0x1ee: {  	v24 =	vadd.f32 v24, v41;
	v31 =	vunpack.i.u.bf16.f32 v30;
	v30 =	vunpack.i.l.bf16.f32 v30  }
0x1ef: {  	v38 =	vunpack.i.u.bf16.f32 v38;
	v41 =	vperm.xlane v33, v4;
	v30 =	vmul.f32 v30, v44  }
0x1f0: {  	v24 =	vmul.f32 $2.500000000e-01, v24;
	v25 =	vunpack.i.u.bf16.f32 v25;
	v44 =	vunpack.i.u.bf16.f32 v42  }
0x1f1: {  	v48 =	vunpack.i.u.bf16.f32 v28;
	v25 =	vmul.f32 v31, v25;
	v49 =	vunpack.i.l.bf16.f32 v45  }
0x1f2: {  	v27 =	vunpack.i.l.bf16.f32 v27;
	v31 =	vunpack.i.u.bf16.f32 v45;
	v40 =	vmul.f32 v40, v49  }
0x1f3: {  	v29 =	vunpack.i.u.bf16.f32 v29;
	v28 =	vunpack.i.l.bf16.f32 v28;
	v25 =	vadd.f32 v30, v25  }
0x1f4: {  	v42 =	vunpack.i.l.bf16.f32 v42;
	v30 =	vmul.f32 v48, v15;
	v15 =	vmul.f32 v32, v31  }
0x1f5: {  	v24 =	vmul.f32 $1.442695020e+00, v24;
	v27 =	vmul.f32 v28, v27;
	v31 =	vunpack.i.l.bf16.f32 v34  }
0x1f6: {  	v28 =	vunpack.i.u.bf16.f32 v34;
	v16 =	vmul.f32 v16, v31;
	v31 =	vadd.f32 v33, v41  }
0x1f7: {  	v32 =	vmul.f32 v43, v36;
	v27 =	vadd.f32 v27, v30;
	v30 =	vmul.f32 v46, v42  }
0x1f8: {  	v28 =	vmul.f32 v29, v28;
	v25 =	vadd.f32 v39, v25;
	v29 =	vmul.f32 $2.500000000e-01, v31;
	v31 =	vld [tilespmem:s13+$0x20]  }
0x1f9: {  	v17 =	vadd.f32 v17, v32;
	v16 =	vadd.f32 v16, v27;
	v27 =	vunpack.i.u.bf16.f32 v35  }
0x1fa: {  	v25 =	vadd.f32 v25, v26;
	v26 =	vmul.f32 $1.442695020e+00, v29;
	(erf) = vpow2.f32 v24  }
0x1fb: {  	v17 =	vadd.f32 v20, v17;
	v20 =	vperm.xlane v47, v1;
	v16 =	vadd.f32 v16, v28  }
0x1fc: {  	v22 =	vunpack.i.u.bf16.f32 v22;
	v24 =	vperm.xlane v25, v3;
	(erf) = vpow2.f32 v26  }
0x1fd: {  	v23 =	vmul.f32 v23, v20;
	v26 =	vmul.f32 v22, v27;
	v22 =	vunpack.i.l.bf16.f32 v31  }
0x1fe: {  	v11 =	vunpack.i.u.bf16.f32 v11;
	v27 =	vperm.xlane v16, v3;
	v28 =	vadd.f32 v25, v24  }
0x1ff: {  	v25 =	vmul.f32 v38, v44;
	v24 =	vadd.f32 v17, v26;
	v17 =	vmul.f32 v11, v20;
	[tilespmem:s19+$0xFFFFFF90] =	vst v23;
	v26 =	vld [tilespmem:s13+$0xFFFFFFE0];
	s13 =	smov.u32 s28  }
.Ltmp5:
0x200: {  	v21 =	vmul.f32 v21, v20;
	v29 =	vadd.f32 v16, v27;
	v23 =	vperm.xlane v28, v4;
	v11 =	vld [tilespmem:s28+$0xFFFFFFA0];
	(pc) =	sbr.rel @p0 .LBB2_11-.Ltmp5, $4  }
0x201: {  	v27 =	vadd.f32 v30, v25;
	v20 =	vmul.f32 v37, v20;
	v25 =	vperm.xlane v24, v3;
	v16 =	vld [tilespmem:s28+$0x60];
	[tilespmem:s19+$0xFFFFFF70] =	vst v17  }
0x202: {  	v30 =	vperm.xlane v29, v4;
	v32 =	vadd.f32 v28, v23;
	v28 =	vunpack.i.u.bf16.f32 v31;
	v17 =	vld [tilespmem:s28+$0x30];
	[tilespmem:s19+$0xFFFFFF80] =	vst v21  }
0x203: {  	v27 =	vadd.f32 v40, v27;
	v21 =	vmul.f32 v19, v14;
	v23 =	vld [tilespmem:s28+$0xFFFFFFB0];
	[tilespmem:s19+$0xFFFFFF60] =	vst v20;
	v20 =	vmul.f32 v18, v14;
	v31 =	vpop (erf)  }
0x204: {  	s26 =	sadd.s32 $0x80, s26;
	v30 =	vadd.f32 v29, v30;
	v18 =	vmul.f32 $2.500000000e-01, v32;
	s28 =	sadd.s32 $0x100, s28;
	v19 =	vld [tilespmem:s13+$0x70];
	v29 =	vperm.xlane v31, v1;
	[tilespmem:s19+$0x40] =	vst v31  }
0x205: {  	_ = 	snop  }
0x206: {  	v15 =	vadd.f32 v27, v15;
	v13 =	vmul.f32 v13, v14;
	v63 =	vpop (erf);
	v62 =	vmul.f32 $2.500000000e-01, v30  }
0x207: {  	v24 =	vadd.f32 v24, v25;
	v18 =	vmul.f32 $1.442695020e+00, v18;
	v32 =	vperm.xlane v63, v1  }
0x208: {  	v31 =	vperm.xlane v15, v3;
	v27 =	vmul.f32 $1.442695020e+00, v62  }
0x209: {  	[tilespmem:s19+$0x70] =	vst v21;
	v34 =	vperm.xlane v24, v4;
	(erf) = vpow2.f32 v18  }
0x20a: {  	[tilespmem:s19+$0x80] =	vst v20;
	v15 =	vadd.f32 v15, v31;
	(erf) = vpow2.f32 v27  }
0x20b: {  	[tilespmem:s19+$0x60] =	vst v13;
	v7 =	vmul.f32 v7, v32;
	v13 =	vadd.f32 v24, v34  }
0x20c: {  	v40 =	vmul.f32 v12, v14;
	[tilespmem:s19+$0xFFFFFFF0] =	vst v63;
	v35 =	vperm.xlane v15, v4  }
0x20d: {  	[tilespmem:s19+$0xFFFFFFD0] =	vst v7;
	v7 =	vmul.f32 v28, v29;
	v13 =	vmul.f32 $2.500000000e-01, v13  }
0x20e: {  	v22 =	vmul.f32 v22, v29;
	[tilespmem:s19+$0x50] =	vst v40;
	v15 =	vadd.f32 v15, v35  }
0x20f: {  	v9 =	vmul.f32 v9, v29;
	[tilespmem:s19+$0x10] =	vst v7;
	v7 =	vmul.f32 $1.442695020e+00, v13  }
0x210: {  	v33 =	vunpack.i.l.bf16.f32 v26;
	v8 =	vmul.f32 v8, v29;
	[tilespmem:s19+$0x0] =	vst v22;
	v37 =	vmul.f32 $2.500000000e-01, v15  }
0x211: {  	v18 =	vmul.f32 v33, v32;
	v10 =	vmul.f32 v10, v32;
	[tilespmem:s19+$0x20] =	vst v9  }
0x212: {  	v36 =	vunpack.i.u.bf16.f32 v26;
	[tilespmem:s19+$0x30] =	vst v8;
	v39 =	vmul.f32 $1.442695020e+00, v37;
	v41 =	vpop (erf);
	(erf) = vpow2.f32 v7  }
0x213: {  	v38 =	vmul.f32 v36, v32;
	[tilespmem:s19+$0xFFFFFFB0] =	vst v18;
	v7 =	vpop (erf)  }
0x214: {  	[tilespmem:s19+$0xFFFFFFE0] =	vst v10;
	(erf) = vpow2.f32 v39;
	v42 =	vperm.xlane v7, v1  }
0x215: {  	v43 =	vunpack.i.u.bf16.f32 v23;
	[tilespmem:s19+$0xFFFFFFC0] =	vst v38  }
0x216: {  	v44 =	vunpack.i.u.bf16.f32 v11;
	[tilespmem:s18+$0x90] =	vst v41;
	v9 =	vmul.f32 v43, v42  }
0x217: {  	v45 =	vunpack.i.l.bf16.f32 v23;
	[tilespmem:s18+$0xFFFFFFA0] =	vst v7;
	v7 =	vmul.f32 v44, v42  }
0x218: {  	v46 =	vunpack.i.l.bf16.f32 v11;
	v47 =	vld [tilespmem:s13+$0x20];
	v48 =	vmul.f32 v45, v42;
	[tilespmem:s18+$0xFFFFFF90] =	vst v9  }
0x219: {  	v8 =	vmul.f32 v46, v42;
	[tilespmem:s18+$0xFFFFFF70] =	vst v7;
	v7 =	vperm.xlane v41, v1  }
0x21a: {  	v49 =	vld [tilespmem:s13+$0xFFFFFFE0];
	v50 =	vunpack.i.u.bf16.f32 v16;
	[tilespmem:s18+$0xFFFFFF80] =	vst v48  }
0x21b: {  	v52 =	vunpack.i.l.bf16.f32 v19;
	[tilespmem:s18+$0xFFFFFF60] =	vst v8;
	v51 =	vpop (erf);
	v54 =	vmul.f32 v50, v7  }
0x21c: {  	v10 =	vmul.f32 v52, v7;
	v53 =	vperm.xlane v51, v1;
	[tilespmem:s18+$0x40] =	vst v51  }
0x21d: {  	v56 =	vunpack.i.l.bf16.f32 v47;
	v55 =	vpop (erf);
	[tilespmem:s18+$0x60] =	vst v54  }
0x21e: {  	v63 =	vunpack.i.u.bf16.f32 v17;
	[tilespmem:s18+$0x70] =	vst v10;
	v57 =	vperm.xlane v55, v1;
	v14 =	vmul.f32 v56, v53  }
0x21f: {  	v58 =	vunpack.i.l.bf16.f32 v49;
	[tilespmem:s18+$0xFFFFFFF0] =	vst v55;
	v8 =	vmul.f32 v63, v53  }
0x220: {  	v59 =	vmul.f32 v58, v57;
	[tilespmem:s18+$0x0] =	vst v14  }
0x221: {  	v5 =	vunpack.i.u.bf16.f32 v5;
	v6 =	vmul.f32 v6, v57;
	[tilespmem:s18+$0x30] =	vst v8  }
0x222: {  	v60 =	vunpack.i.u.bf16.f32 v47;
	v5 =	vmul.f32 v5, v57;
	[tilespmem:s18+$0xFFFFFFB0] =	vst v59  }
0x223: {  	v61 =	vunpack.i.l.bf16.f32 v17;
	[tilespmem:s18+$0xFFFFFFD0] =	vst v6;
	v6 =	vmul.f32 v60, v53  }
0x224: {  	v62 =	vunpack.i.u.bf16.f32 v49;
	[tilespmem:s18+$0xFFFFFFE0] =	vst v5;
	v5 =	vmul.f32 v61, v53  }
0x225: {  	v9 =	vmul.f32 v62, v57;
	[tilespmem:s18+$0x10] =	vst v6;
	v6 =	vunpack.i.l.bf16.f32 v16  }
0x226: {  	[tilespmem:s18+$0x20] =	vst v5;
	v5 =	vunpack.i.u.bf16.f32 v19;
	v6 =	vmul.f32 v6, v7  }
0x227: {  	[tilespmem:s18+$0xFFFFFFC0] =	vst v9;
	v5 =	vmul.f32 v5, v7  }
0x228: {  	[tilespmem:s18+$0x50] =	vst v6  }
0x229: {  	[tilespmem:s18+$0x80] =	vst v5  }
0x22a: {  	v5 =	vld [tilespmem:$0x4E70]  }
0x22b: {  	v6 =	vld [tilespmem:$0x4E80]  }
0x22c: {  	v7 =	vld [tilespmem:$0x4E90]  }
0x22d: {  	v8 =	vld [tilespmem:$0x4EA0]  }
0x22e: {  	v9 =	vld [tilespmem:$0x4EB0]  }
0x22f: {  	s24 =	sadd.s32 $0x1, s24;
	v5 =	vsub.s32 v5, v0  }
0x230: {  	p0 =	sne.s32 s24, $0x7D;
	[tilespmem:$0x4FB0] =	vst v5;
	v5 =	vsub.s32 v6, v0  }
.Ltmp6:
0x231: {  	[tilespmem:$0x4FC0] =	vst v5;
	v5 =	vsub.s32 v7, v0;
	(pc) =	sbr.rel @p0 .LBB2_4-.Ltmp6, $4  }
.Ltmp7:
0x232: {  	[tilespmem:$0x4FD0] =	vst v5;
	v5 =	vsub.s32 v8, v0;
	(pc) =	sbr.rel @!p0 .LBB2_13-.Ltmp7, $4  }
0x233: {  	[tilespmem:$0x4FE0] =	vst v5;
	v5 =	vsub.s32 v9, v0  }
0x234: {  	[tilespmem:$0x4FF0] =	vst v5  }
0x235: {  	[spmem:s1] =	stream.indirect.scatter.add.f32 [tilespmem:s17], [sflag:$0x6], $0x50, s16, s25, $0xb8;
	[tilespmem:$0x18600] =	vst v63  }
0x236: {  	_ = 	snop  }
.LBB2_8:
.Ltmp8:
0x237: {  	(pc) =	sbr.rel @p1 .LBB2_10-.Ltmp8, $4  }
.Ltmp9:
0x238: {  	(pc) =	sbr.rel @!p1 .LBB2_9-.Ltmp9, $4  }
0x239: {  	_ = 	snop  }
0x23a: {  	_ = 	snop  }
0x23b: {  	_ = 	snop  }
0x23c: {  	_ = 	snop  }
.LBB2_14:
0x23d: {  	_ =	sfence.sel $0x180000  }
0x23e: {  	[bflag:$0x0] =	sbarrier.arrive $0xFFFF  }
0x23f: {  	_ =	strace $0x90000047  }
0x240: {  	s0 =	stileid.u32;
	[bflag:$0x2] =	sbarrier.arrive $0xFFFF  }
0x241: {  	p0 =	sne.s32 s0, $0x0;
	s0 =	rddreg [dreg:$0x2]  }
0x242: {  	s0 =	sadd.s32 @!p0 $0x100000, s0  }
0x243: {  	[sflag:s0] =	ssyncadd.tile.s32 @!p0 $0x1;
	_ =	shalt  }
.Lfunc_end2:
_tile_overlayer_lowered:
.L_overlay_start_2:
0x244: {  	(tag) =	ssettag $0x2  }
0x245: {  	s0 =	rddreg [dreg:$0x0];
	s2 =	stileid.u32  }
0x246: {  	s1 =	rddreg [dreg:$0x1];
	p0 =	sne.s32 s2, $0x0  }
0x247: {  	s3 =	rddreg [dreg:$0x2];
	[bflag:$0x3] =	sbarrier.arrive $0xFFFF;
	s2 =	simm.s32 @!p0 $0x1C07  }
0x248: {  	[timem:s3], [sflag:s2] =	dma.local @!p0 [hbm:s0], s1  }
0x249: {  	s0 =	simm.s32 @!p0 $0x7  }
0x24a: {  	_ =	swait.ge @!p0 [sflag:s0], s1  }
0x24b: {  	s1 =	ssub.s32 @!p0 $0x0, s1;
	[sflag:s0] =	ssyncset.done @!p0 $0x0  }
0x24c: {  	[sflag:s0] =	ssyncadd.s32 @!p0 s1  }
0x24d: {  	[bflag:$0x3] =	sbarrier.arrive $0xFFFF  }
0x24e: {  	_ =	shalt  }

</sc_bundles>
